<compile_context>
chip_gen: v7x
topology: tpu7x:2x2x1
jax: 0.10.2.dev20260603
libtpu: 0.0.44.dev20260713+nightly
codegen_flags: <defaults>
</compile_context>

<pallas_src>
import functools

import jax
import jax.numpy as jnp
from jax import lax
from jax.experimental import pallas as pl
from jax.experimental.pallas import tpu as pltpu
from jax.experimental.pallas import tpu_sc as plsc

_L = 16
_VB = 147456


def _make_tc_project(C, D, V, nv):
    vb8 = _VB // 8

    def body(u_ref, i_ref, mm_ref, mel_ref, wf_ref, s_ref):
        wf = wf_ref[...]
        wu = wf[:D, 0]
        wi = (mm_ref[...] @ (mel_ref[...] @ wf[D:]))[:, 0]
        u = u_ref[0]
        i = i_ref[0]
        s_ref[0] = jnp.sum(u * wu[:, None], axis=0).reshape(8, vb8)
        s_ref[1] = jnp.sum(i * wi[:, None], axis=0).reshape(8, vb8)

    grid = (C, nv)
    return pl.pallas_call(
        body,
        grid=grid,
        in_specs=[
            pl.BlockSpec((1, D, _VB), lambda c, j: (c, 0, j)),
            pl.BlockSpec((1, D, _VB), lambda c, j: (c, 0, j)),
            pl.BlockSpec((D, 2 * D), lambda c, j: (0, 0)),
            pl.BlockSpec((2 * D, D), lambda c, j: (0, 0)),
            pl.BlockSpec((2 * D, 1), lambda c, j: (0, 0)),
        ],
        out_specs=pl.BlockSpec((2, 8, vb8), lambda c, j: (0, c * nv + j, 0)),
        out_shape=jax.ShapeDtypeStruct((2, C * nv * 8, vb8), jnp.float32),
        compiler_params=pltpu.CompilerParams(vmem_limit_bytes=50 * 1024 * 1024),
    )


def _make_sc_gather(CB):
    info = plsc.get_sparse_core_info()
    NC, NS = info.num_cores, info.num_subcores
    NW = NC * NS
    npw = CB // NW
    nchunk = npw // 128
    nblk = npw // _L
    B = CB // 2
    wpc = NW // 2
    assert CB % NW == 0 and npw % 128 == 0 and B % npw == 0

    mesh = plsc.VectorSubcoreMesh(core_axis_name="c", subcore_axis_name="s")

    @functools.partial(
        pl.kernel,
        mesh=mesh,
        out_type=[jax.ShapeDtypeStruct((B,), jnp.float32),
                  jax.ShapeDtypeStruct((B,), jnp.float32)],
        scratch_types=[
            pltpu.VMEM((nchunk, 128), jnp.int32),
            pltpu.VMEM((nchunk, 128), jnp.int32),
            pltpu.VMEM((npw,), jnp.float32),
            pltpu.VMEM((npw,), jnp.float32),
            pltpu.VMEM((npw,), jnp.float32),
            pltpu.VMEM((_L,), jnp.float32),
            pltpu.SemaphoreType.DMA,
        ],
        compiler_params=pltpu.CompilerParams(
            needs_layout_passes=False, use_tc_tiling_on_sc=False),
    )
    def sc_kernel(uidx_hbm, iidx_hbm, s_hbm, bias_hbm, out0_hbm, out1_hbm,
                  uidx_v, iidx_v, sgu_v, sgi_v, out_v, bias_v, sem):
        wid = lax.axis_index("s") * NC + lax.axis_index("c")

        pltpu.sync_copy(uidx_hbm.at[pl.ds(wid * nchunk, nchunk)], uidx_v)
        pltpu.sync_copy(iidx_hbm.at[pl.ds(wid * nchunk, nchunk)], iidx_v)

        copies = []
        for j in range(nchunk):
            copies.append(pltpu.async_copy(
                s_hbm.at[uidx_v.at[j]], sgu_v.at[pl.ds(j * 128, 128)], sem))
        for j in range(nchunk):
            copies.append(pltpu.async_copy(
                s_hbm.at[iidx_v.at[j]], sgi_v.at[pl.ds(j * 128, 128)], sem))

        pltpu.sync_copy(bias_hbm, bias_v)
        b_s = bias_v[pl.ds(0, _L)][0]

        for cp in copies:
            cp.wait()

        def blk(k, carry):
            x = sgu_v[pl.ds(k * _L, _L)] + sgi_v[pl.ds(k * _L, _L)] + b_s
            out_v[pl.ds(k * _L, _L)] = 1.0 / (1.0 + jnp.exp(-x))
            return carry
        lax.fori_loop(0, nblk, blk, 0)

        @pl.when(wid < wpc)
        def _():
            pltpu.sync_copy(out_v, out0_hbm.at[pl.ds(wid * npw, npw)])

        @pl.when(wid >= wpc)
        def _():
            pltpu.sync_copy(out_v, out1_hbm.at[pl.ds((wid - wpc) * npw, npw)])

    return sc_kernel


def kernel(inputs, user_tables, item_tables, meta_memory, meta_emb_layer,
           w_final, b_final):
    C, B, _ = inputs.shape
    _, V, D = user_tables.shape
    CB = C * B
    nv = (V + _VB - 1) // _VB
    vpad = nv * _VB

    utab_t = user_tables.transpose(0, 2, 1)
    itab_t = item_tables.transpose(0, 2, 1)
    ids = inputs.astype(jnp.int32)
    offs = (jnp.arange(C, dtype=jnp.int32) * vpad)[:, None]
    uidx = (ids[:, :, 0] + offs).reshape(CB // 128, 128)
    iidx = (ids[:, :, 1] + offs + C * vpad).reshape(CB // 128, 128)

    tc = _make_tc_project(C, D, V, nv)
    s2 = tc(utab_t, itab_t, meta_memory, meta_emb_layer,
            w_final.astype(jnp.float32))
    s = s2.reshape(2 * C * vpad)

    bias = jnp.broadcast_to(b_final.astype(jnp.float32), (_L,))

    sc = _make_sc_gather(CB)
    out0, out1 = sc(uidx, iidx, s, bias)
    return (out0, out1)

# --- scband reference (transcript-rebuilt; emitter-appended) ---
"""Pipeline reference for scband-my-net2-88587995447457 (READ-ONLY COPY).

The authoritative reference and input builder live on the scoring server;
editing this copy changes nothing except your own understanding.
"""

import jax, jax.numpy as jnp
import numpy as np

C = 2          # cliNum
B = 16384      # batch per client
V = 1000000    # vocab (user_id and movie_id)
D = 16         # embDim
M = 32         # metaMemory


def _xavier(key, shape):
    fan_in, fan_out = shape[-2], shape[-1]
    std = (2.0 / (fan_in + fan_out)) ** 0.5
    return jax.random.normal(key, shape, dtype=jnp.float32) * std


def setup_inputs(seed: int = 0) -> dict:
    key = jax.random.key(seed)
    ks = jax.random.split(key, 8)
    inputs = jax.random.randint(ks[0], (C, B, 2), 0, V, dtype=jnp.int64)
    # per-client embedding tables (nn.Embedding default init ~ N(0,1); scaled down for stability)
    user_tables = jax.random.normal(ks[1], (C, V, D), dtype=jnp.float32) * 0.01
    item_tables = jax.random.normal(ks[2], (C, V, D), dtype=jnp.float32) * 0.01
    # MetaAggregator params (xavier_normal)
    meta_memory = _xavier(ks[3], (D, M))
    meta_emb_layer = _xavier(ks[4], (M, D))
    # dense_final: Linear(32, 1)
    w_final = jax.random.normal(ks[5], (2 * D, 1), dtype=jnp.float32) * (1.0 / np.sqrt(2 * D))
    b_final = jnp.zeros((1,), dtype=jnp.float32)
    return {
        "inputs": inputs,
        "user_tables": user_tables,
        "item_tables": item_tables,
        "meta_memory": meta_memory,
        "meta_emb_layer": meta_emb_layer,
        "w_final": w_final,
        "b_final": b_final,
    }


def reference(inputs, user_tables, item_tables, meta_memory, meta_emb_layer, w_final, b_final):
    outputs = []
    for i in range(C):
        ids = inputs[i]
        user_emb = jnp.take(user_tables[i], ids[:, 0], axis=0)   # [B, D] gather
        item_emb = jnp.take(item_tables[i], ids[:, 1], axis=0)   # [B, D] gather
        # MetaAggregator
        emb_mem = item_emb @ meta_memory                          # [B, M]
        meta_v = emb_mem @ meta_emb_layer                         # [B, D]
        cat_emb = jnp.concatenate([user_emb, meta_v], axis=1)     # [B, 2D]
        cat_emb = jnp.squeeze(cat_emb)
        out = cat_emb @ w_final + b_final                         # [B, 1]
        out = jax.nn.sigmoid(out).reshape(-1)                     # [B]
        outputs.append(out)
    return tuple(outputs)

if __name__ == "__main__":
    import jax
    _d = setup_inputs()
    print(jax.jit(kernel)(*tuple(_d.values())))

</pallas_src>

<mosaic_0001>
#map = affine_map<(d0, d1) -> (0, 0)>
#map1 = affine_map<(d0, d1) -> (0)>
module attributes {stable_mosaic.version = 14 : i64} {
  func.func @sc_kernel(%arg0: i32, %arg1: i32, %arg2: memref<256x128xi32, #tpu.memory_space<hbm>>, %arg3: memref<256x128xi32, #tpu.memory_space<hbm>>, %arg4: memref<4128768xf32, #tpu.memory_space<hbm>>, %arg5: memref<16xf32, #tpu.memory_space<hbm>>, %arg6: memref<16384xf32, #tpu.memory_space<hbm>>, %arg7: memref<16384xf32, #tpu.memory_space<hbm>>, %arg8: memref<8x128xi32, #tpu.memory_space<vmem>>, %arg9: memref<8x128xi32, #tpu.memory_space<vmem>>, %arg10: memref<1024xf32, #tpu.memory_space<vmem>>, %arg11: memref<1024xf32, #tpu.memory_space<vmem>>, %arg12: memref<1024xf32, #tpu.memory_space<vmem>>, %arg13: memref<16xf32, #tpu.memory_space<vmem>>, %arg14: memref<!tpu.dma_semaphore, #tpu.memory_space<semaphore_mem>>) attributes {dimension_semantics = [#tpu.dimension_semantics<core_parallel>, #tpu.dimension_semantics<subcore_parallel>], iteration_bounds = array<i64: 2, 16>, scalar_prefetch = 0 : i64, scratch_operands = 7 : i64, tpu.core_type = #tpu.core_type<sc_vector_subcore>, window_params = [{transform_indices = #map}, {transform_indices = #map}, {transform_indices = #map1}, {transform_indices = #map1}, {transform_indices = #map1}, {transform_indices = #map1}]} {
    %mul3A = arith.constant 2 : i32
    %mul3A_0 = arith.muli %arg1, %mul3A : i32
    %add3A = arith.addi %mul3A_0, %arg0 : i32
    %mul3A_1 = arith.constant 8 : i32
    %mul3A_2 = arith.muli %add3A, %mul3A_1 : i32
    "tpu.region"() ({
      %run_scoped3A = tpu.sem_alloc : memref<!tpu.dma_semaphore, #tpu.memory_space<semaphore_mem>>
      %dma_start3A_271 = arith.constant 0 : i32
      %dma_start3A_272 = tpu.memref_slice %arg2[%mul3A_2, %dma_start3A_271] : memref<256x128xi32, #tpu.memory_space<hbm>> -> memref<8x128xi32, #tpu.memory_space<hbm>>
      %dma_start3A_273 = arith.constant 0 : i32
      %dma_start3A_274 = tpu.memref_slice %arg2[%mul3A_2, %dma_start3A_273] : memref<256x128xi32, #tpu.memory_space<hbm>> -> memref<8x128xi32, #tpu.memory_space<hbm>>
      tpu.enqueue_dma source(%dma_start3A_274 : memref<8x128xi32, #tpu.memory_space<hbm>>) target(%arg8 : memref<8x128xi32, #tpu.memory_space<vmem>>) target_semaphore(%run_scoped3A : memref<!tpu.dma_semaphore, #tpu.memory_space<semaphore_mem>>)
      %dma_wait3A_275 = arith.constant 0 : i32
      %dma_wait3A_276 = tpu.memref_slice %arg2[%mul3A_2, %dma_wait3A_275] : memref<256x128xi32, #tpu.memory_space<hbm>> -> memref<8x128xi32, #tpu.memory_space<hbm>>
      %dma_wait3A_277 = arith.constant 0 : i32
      %dma_wait3A_278 = tpu.memref_slice %arg2[%mul3A_2, %dma_wait3A_277] : memref<256x128xi32, #tpu.memory_space<hbm>> -> memref<8x128xi32, #tpu.memory_space<hbm>>
      tpu.wait_dma2 semaphore(%run_scoped3A : memref<!tpu.dma_semaphore, #tpu.memory_space<semaphore_mem>>) src(%dma_wait3A_278 : memref<8x128xi32, #tpu.memory_space<hbm>>) dst(%arg8 : memref<8x128xi32, #tpu.memory_space<vmem>>)
      tpu.yield
    }) : () -> ()
    %mul3A_3 = arith.constant 8 : i32
    %mul3A_4 = arith.muli %add3A, %mul3A_3 : i32
    "tpu.region"() ({
      %run_scoped3A = tpu.sem_alloc : memref<!tpu.dma_semaphore, #tpu.memory_space<semaphore_mem>>
      %dma_start3A_271 = arith.constant 0 : i32
      %dma_start3A_272 = tpu.memref_slice %arg3[%mul3A_4, %dma_start3A_271] : memref<256x128xi32, #tpu.memory_space<hbm>> -> memref<8x128xi32, #tpu.memory_space<hbm>>
      %dma_start3A_273 = arith.constant 0 : i32
      %dma_start3A_274 = tpu.memref_slice %arg3[%mul3A_4, %dma_start3A_273] : memref<256x128xi32, #tpu.memory_space<hbm>> -> memref<8x128xi32, #tpu.memory_space<hbm>>
      tpu.enqueue_dma source(%dma_start3A_274 : memref<8x128xi32, #tpu.memory_space<hbm>>) target(%arg9 : memref<8x128xi32, #tpu.memory_space<vmem>>) target_semaphore(%run_scoped3A : memref<!tpu.dma_semaphore, #tpu.memory_space<semaphore_mem>>)
      %dma_wait3A_275 = arith.constant 0 : i32
      %dma_wait3A_276 = tpu.memref_slice %arg3[%mul3A_4, %dma_wait3A_275] : memref<256x128xi32, #tpu.memory_space<hbm>> -> memref<8x128xi32, #tpu.memory_space<hbm>>
      %dma_wait3A_277 = arith.constant 0 : i32
      %dma_wait3A_278 = tpu.memref_slice %arg3[%mul3A_4, %dma_wait3A_277] : memref<256x128xi32, #tpu.memory_space<hbm>> -> memref<8x128xi32, #tpu.memory_space<hbm>>
      tpu.wait_dma2 semaphore(%run_scoped3A : memref<!tpu.dma_semaphore, #tpu.memory_space<semaphore_mem>>) src(%dma_wait3A_278 : memref<8x128xi32, #tpu.memory_space<hbm>>) dst(%arg9 : memref<8x128xi32, #tpu.memory_space<vmem>>)
      tpu.yield
    }) : () -> ()
    %dma_start3A = arith.constant 0 : i32
    %dma_start3A_5 = arith.constant 0 : i32
    %dma_start3A_6 = tpu.memref_slice %arg10[%dma_start3A_5] : memref<1024xf32, #tpu.memory_space<vmem>> -> memref<128xf32, #tpu.memory_space<vmem>>
    %dma_start3A_7 = arith.constant 0 : i32
    %dma_start3A_8 = tpu.memref_slice %arg8[%dma_start3A, %dma_start3A_7] : memref<8x128xi32, #tpu.memory_space<vmem>> -> memref<1x128xi32, #tpu.memory_space<vmem>>
    %dma_start3A_9 = tpu.memref_squeeze %dma_start3A_8 : memref<1x128xi32, #tpu.memory_space<vmem>> -> memref<128xi32, #tpu.memory_space<vmem>>
    %dma_start3A_10 = arith.constant 0 : i32
    %dma_start3A_11 = tpu.memref_slice %arg4[%dma_start3A_10] : memref<4128768xf32, #tpu.memory_space<hbm>> -> memref<4128768xf32, #tpu.memory_space<hbm>>
    tpu.enqueue_indirect_dma source(%dma_start3A_11 : memref<4128768xf32, #tpu.memory_space<hbm>>) target(%dma_start3A_6 : memref<128xf32, #tpu.memory_space<vmem>>) offsets(%dma_start3A_9 : memref<128xi32, #tpu.memory_space<vmem>>) semaphore(%arg14 : memref<!tpu.dma_semaphore, #tpu.memory_space<semaphore_mem>>)
    %dma_start3A_12 = arith.constant 1 : i32
    %dma_start3A_13 = arith.constant 128 : i32
    %dma_start3A_14 = tpu.memref_slice %arg10[%dma_start3A_13] : memref<1024xf32, #tpu.memory_space<vmem>> -> memref<128xf32, #tpu.memory_space<vmem>>
    %dma_start3A_15 = arith.constant 0 : i32
    %dma_start3A_16 = tpu.memref_slice %arg8[%dma_start3A_12, %dma_start3A_15] : memref<8x128xi32, #tpu.memory_space<vmem>> -> memref<1x128xi32, #tpu.memory_space<vmem>>
    %dma_start3A_17 = tpu.memref_squeeze %dma_start3A_16 : memref<1x128xi32, #tpu.memory_space<vmem>> -> memref<128xi32, #tpu.memory_space<vmem>>
    %dma_start3A_18 = arith.constant 0 : i32
    %dma_start3A_19 = tpu.memref_slice %arg4[%dma_start3A_18] : memref<4128768xf32, #tpu.memory_space<hbm>> -> memref<4128768xf32, #tpu.memory_space<hbm>>
    tpu.enqueue_indirect_dma source(%dma_start3A_19 : memref<4128768xf32, #tpu.memory_space<hbm>>) target(%dma_start3A_14 : memref<128xf32, #tpu.memory_space<vmem>>) offsets(%dma_start3A_17 : memref<128xi32, #tpu.memory_space<vmem>>) semaphore(%arg14 : memref<!tpu.dma_semaphore, #tpu.memory_space<semaphore_mem>>)
    %dma_start3A_20 = arith.constant 2 : i32
    %dma_start3A_21 = arith.constant 256 : i32
    %dma_start3A_22 = tpu.memref_slice %arg10[%dma_start3A_21] : memref<1024xf32, #tpu.memory_space<vmem>> -> memref<128xf32, #tpu.memory_space<vmem>>
    %dma_start3A_23 = arith.constant 0 : i32
    %dma_start3A_24 = tpu.memref_slice %arg8[%dma_start3A_20, %dma_start3A_23] : memref<8x128xi32, #tpu.memory_space<vmem>> -> memref<1x128xi32, #tpu.memory_space<vmem>>
    %dma_start3A_25 = tpu.memref_squeeze %dma_start3A_24 : memref<1x128xi32, #tpu.memory_space<vmem>> -> memref<128xi32, #tpu.memory_space<vmem>>
    %dma_start3A_26 = arith.constant 0 : i32
    %dma_start3A_27 = tpu.memref_slice %arg4[%dma_start3A_26] : memref<4128768xf32, #tpu.memory_space<hbm>> -> memref<4128768xf32, #tpu.memory_space<hbm>>
    tpu.enqueue_indirect_dma source(%dma_start3A_27 : memref<4128768xf32, #tpu.memory_space<hbm>>) target(%dma_start3A_22 : memref<128xf32, #tpu.memory_space<vmem>>) offsets(%dma_start3A_25 : memref<128xi32, #tpu.memory_space<vmem>>) semaphore(%arg14 : memref<!tpu.dma_semaphore, #tpu.memory_space<semaphore_mem>>)
    %dma_start3A_28 = arith.constant 3 : i32
    %dma_start3A_29 = arith.constant 384 : i32
    %dma_start3A_30 = tpu.memref_slice %arg10[%dma_start3A_29] : memref<1024xf32, #tpu.memory_space<vmem>> -> memref<128xf32, #tpu.memory_space<vmem>>
    %dma_start3A_31 = arith.constant 0 : i32
    %dma_start3A_32 = tpu.memref_slice %arg8[%dma_start3A_28, %dma_start3A_31] : memref<8x128xi32, #tpu.memory_space<vmem>> -> memref<1x128xi32, #tpu.memory_space<vmem>>
    %dma_start3A_33 = tpu.memref_squeeze %dma_start3A_32 : memref<1x128xi32, #tpu.memory_space<vmem>> -> memref<128xi32, #tpu.memory_space<vmem>>
    %dma_start3A_34 = arith.constant 0 : i32
    %dma_start3A_35 = tpu.memref_slice %arg4[%dma_start3A_34] : memref<4128768xf32, #tpu.memory_space<hbm>> -> memref<4128768xf32, #tpu.memory_space<hbm>>
    tpu.enqueue_indirect_dma source(%dma_start3A_35 : memref<4128768xf32, #tpu.memory_space<hbm>>) target(%dma_start3A_30 : memref<128xf32, #tpu.memory_space<vmem>>) offsets(%dma_start3A_33 : memref<128xi32, #tpu.memory_space<vmem>>) semaphore(%arg14 : memref<!tpu.dma_semaphore, #tpu.memory_space<semaphore_mem>>)
    %dma_start3A_36 = arith.constant 4 : i32
    %dma_start3A_37 = arith.constant 512 : i32
    %dma_start3A_38 = tpu.memref_slice %arg10[%dma_start3A_37] : memref<1024xf32, #tpu.memory_space<vmem>> -> memref<128xf32, #tpu.memory_space<vmem>>
    %dma_start3A_39 = arith.constant 0 : i32
    %dma_start3A_40 = tpu.memref_slice %arg8[%dma_start3A_36, %dma_start3A_39] : memref<8x128xi32, #tpu.memory_space<vmem>> -> memref<1x128xi32, #tpu.memory_space<vmem>>
    %dma_start3A_41 = tpu.memref_squeeze %dma_start3A_40 : memref<1x128xi32, #tpu.memory_space<vmem>> -> memref<128xi32, #tpu.memory_space<vmem>>
    %dma_start3A_42 = arith.constant 0 : i32
    %dma_start3A_43 = tpu.memref_slice %arg4[%dma_start3A_42] : memref<4128768xf32, #tpu.memory_space<hbm>> -> memref<4128768xf32, #tpu.memory_space<hbm>>
    tpu.enqueue_indirect_dma source(%dma_start3A_43 : memref<4128768xf32, #tpu.memory_space<hbm>>) target(%dma_start3A_38 : memref<128xf32, #tpu.memory_space<vmem>>) offsets(%dma_start3A_41 : memref<128xi32, #tpu.memory_space<vmem>>) semaphore(%arg14 : memref<!tpu.dma_semaphore, #tpu.memory_space<semaphore_mem>>)
    %dma_start3A_44 = arith.constant 5 : i32
    %dma_start3A_45 = arith.constant 640 : i32
    %dma_start3A_46 = tpu.memref_slice %arg10[%dma_start3A_45] : memref<1024xf32, #tpu.memory_space<vmem>> -> memref<128xf32, #tpu.memory_space<vmem>>
    %dma_start3A_47 = arith.constant 0 : i32
    %dma_start3A_48 = tpu.memref_slice %arg8[%dma_start3A_44, %dma_start3A_47] : memref<8x128xi32, #tpu.memory_space<vmem>> -> memref<1x128xi32, #tpu.memory_space<vmem>>
    %dma_start3A_49 = tpu.memref_squeeze %dma_start3A_48 : memref<1x128xi32, #tpu.memory_space<vmem>> -> memref<128xi32, #tpu.memory_space<vmem>>
    %dma_start3A_50 = arith.constant 0 : i32
    %dma_start3A_51 = tpu.memref_slice %arg4[%dma_start3A_50] : memref<4128768xf32, #tpu.memory_space<hbm>> -> memref<4128768xf32, #tpu.memory_space<hbm>>
    tpu.enqueue_indirect_dma source(%dma_start3A_51 : memref<4128768xf32, #tpu.memory_space<hbm>>) target(%dma_start3A_46 : memref<128xf32, #tpu.memory_space<vmem>>) offsets(%dma_start3A_49 : memref<128xi32, #tpu.memory_space<vmem>>) semaphore(%arg14 : memref<!tpu.dma_semaphore, #tpu.memory_space<semaphore_mem>>)
    %dma_start3A_52 = arith.constant 6 : i32
    %dma_start3A_53 = arith.constant 768 : i32
    %dma_start3A_54 = tpu.memref_slice %arg10[%dma_start3A_53] : memref<1024xf32, #tpu.memory_space<vmem>> -> memref<128xf32, #tpu.memory_space<vmem>>
    %dma_start3A_55 = arith.constant 0 : i32
    %dma_start3A_56 = tpu.memref_slice %arg8[%dma_start3A_52, %dma_start3A_55] : memref<8x128xi32, #tpu.memory_space<vmem>> -> memref<1x128xi32, #tpu.memory_space<vmem>>
    %dma_start3A_57 = tpu.memref_squeeze %dma_start3A_56 : memref<1x128xi32, #tpu.memory_space<vmem>> -> memref<128xi32, #tpu.memory_space<vmem>>
    %dma_start3A_58 = arith.constant 0 : i32
    %dma_start3A_59 = tpu.memref_slice %arg4[%dma_start3A_58] : memref<4128768xf32, #tpu.memory_space<hbm>> -> memref<4128768xf32, #tpu.memory_space<hbm>>
    tpu.enqueue_indirect_dma source(%dma_start3A_59 : memref<4128768xf32, #tpu.memory_space<hbm>>) target(%dma_start3A_54 : memref<128xf32, #tpu.memory_space<vmem>>) offsets(%dma_start3A_57 : memref<128xi32, #tpu.memory_space<vmem>>) semaphore(%arg14 : memref<!tpu.dma_semaphore, #tpu.memory_space<semaphore_mem>>)
    %dma_start3A_60 = arith.constant 7 : i32
    %dma_start3A_61 = arith.constant 896 : i32
    %dma_start3A_62 = tpu.memref_slice %arg10[%dma_start3A_61] : memref<1024xf32, #tpu.memory_space<vmem>> -> memref<128xf32, #tpu.memory_space<vmem>>
    %dma_start3A_63 = arith.constant 0 : i32
    %dma_start3A_64 = tpu.memref_slice %arg8[%dma_start3A_60, %dma_start3A_63] : memref<8x128xi32, #tpu.memory_space<vmem>> -> memref<1x128xi32, #tpu.memory_space<vmem>>
    %dma_start3A_65 = tpu.memref_squeeze %dma_start3A_64 : memref<1x128xi32, #tpu.memory_space<vmem>> -> memref<128xi32, #tpu.memory_space<vmem>>
    %dma_start3A_66 = arith.constant 0 : i32
    %dma_start3A_67 = tpu.memref_slice %arg4[%dma_start3A_66] : memref<4128768xf32, #tpu.memory_space<hbm>> -> memref<4128768xf32, #tpu.memory_space<hbm>>
    tpu.enqueue_indirect_dma source(%dma_start3A_67 : memref<4128768xf32, #tpu.memory_space<hbm>>) target(%dma_start3A_62 : memref<128xf32, #tpu.memory_space<vmem>>) offsets(%dma_start3A_65 : memref<128xi32, #tpu.memory_space<vmem>>) semaphore(%arg14 : memref<!tpu.dma_semaphore, #tpu.memory_space<semaphore_mem>>)
    %dma_start3A_68 = arith.constant 0 : i32
    %dma_start3A_69 = arith.constant 0 : i32
    %dma_start3A_70 = tpu.memref_slice %arg11[%dma_start3A_69] : memref<1024xf32, #tpu.memory_space<vmem>> -> memref<128xf32, #tpu.memory_space<vmem>>
    %dma_start3A_71 = arith.constant 0 : i32
    %dma_start3A_72 = tpu.memref_slice %arg9[%dma_start3A_68, %dma_start3A_71] : memref<8x128xi32, #tpu.memory_space<vmem>> -> memref<1x128xi32, #tpu.memory_space<vmem>>
    %dma_start3A_73 = tpu.memref_squeeze %dma_start3A_72 : memref<1x128xi32, #tpu.memory_space<vmem>> -> memref<128xi32, #tpu.memory_space<vmem>>
    %dma_start3A_74 = arith.constant 0 : i32
    %dma_start3A_75 = tpu.memref_slice %arg4[%dma_start3A_74] : memref<4128768xf32, #tpu.memory_space<hbm>> -> memref<4128768xf32, #tpu.memory_space<hbm>>
    tpu.enqueue_indirect_dma source(%dma_start3A_75 : memref<4128768xf32, #tpu.memory_space<hbm>>) target(%dma_start3A_70 : memref<128xf32, #tpu.memory_space<vmem>>) offsets(%dma_start3A_73 : memref<128xi32, #tpu.memory_space<vmem>>) semaphore(%arg14 : memref<!tpu.dma_semaphore, #tpu.memory_space<semaphore_mem>>)
    %dma_start3A_76 = arith.constant 1 : i32
    %dma_start3A_77 = arith.constant 128 : i32
    %dma_start3A_78 = tpu.memref_slice %arg11[%dma_start3A_77] : memref<1024xf32, #tpu.memory_space<vmem>> -> memref<128xf32, #tpu.memory_space<vmem>>
    %dma_start3A_79 = arith.constant 0 : i32
    %dma_start3A_80 = tpu.memref_slice %arg9[%dma_start3A_76, %dma_start3A_79] : memref<8x128xi32, #tpu.memory_space<vmem>> -> memref<1x128xi32, #tpu.memory_space<vmem>>
    %dma_start3A_81 = tpu.memref_squeeze %dma_start3A_80 : memref<1x128xi32, #tpu.memory_space<vmem>> -> memref<128xi32, #tpu.memory_space<vmem>>
    %dma_start3A_82 = arith.constant 0 : i32
    %dma_start3A_83 = tpu.memref_slice %arg4[%dma_start3A_82] : memref<4128768xf32, #tpu.memory_space<hbm>> -> memref<4128768xf32, #tpu.memory_space<hbm>>
    tpu.enqueue_indirect_dma source(%dma_start3A_83 : memref<4128768xf32, #tpu.memory_space<hbm>>) target(%dma_start3A_78 : memref<128xf32, #tpu.memory_space<vmem>>) offsets(%dma_start3A_81 : memref<128xi32, #tpu.memory_space<vmem>>) semaphore(%arg14 : memref<!tpu.dma_semaphore, #tpu.memory_space<semaphore_mem>>)
    %dma_start3A_84 = arith.constant 2 : i32
    %dma_start3A_85 = arith.constant 256 : i32
    %dma_start3A_86 = tpu.memref_slice %arg11[%dma_start3A_85] : memref<1024xf32, #tpu.memory_space<vmem>> -> memref<128xf32, #tpu.memory_space<vmem>>
    %dma_start3A_87 = arith.constant 0 : i32
    %dma_start3A_88 = tpu.memref_slice %arg9[%dma_start3A_84, %dma_start3A_87] : memref<8x128xi32, #tpu.memory_space<vmem>> -> memref<1x128xi32, #tpu.memory_space<vmem>>
    %dma_start3A_89 = tpu.memref_squeeze %dma_start3A_88 : memref<1x128xi32, #tpu.memory_space<vmem>> -> memref<128xi32, #tpu.memory_space<vmem>>
    %dma_start3A_90 = arith.constant 0 : i32
    %dma_start3A_91 = tpu.memref_slice %arg4[%dma_start3A_90] : memref<4128768xf32, #tpu.memory_space<hbm>> -> memref<4128768xf32, #tpu.memory_space<hbm>>
    tpu.enqueue_indirect_dma source(%dma_start3A_91 : memref<4128768xf32, #tpu.memory_space<hbm>>) target(%dma_start3A_86 : memref<128xf32, #tpu.memory_space<vmem>>) offsets(%dma_start3A_89 : memref<128xi32, #tpu.memory_space<vmem>>) semaphore(%arg14 : memref<!tpu.dma_semaphore, #tpu.memory_space<semaphore_mem>>)
    %dma_start3A_92 = arith.constant 3 : i32
    %dma_start3A_93 = arith.constant 384 : i32
    %dma_start3A_94 = tpu.memref_slice %arg11[%dma_start3A_93] : memref<1024xf32, #tpu.memory_space<vmem>> -> memref<128xf32, #tpu.memory_space<vmem>>
    %dma_start3A_95 = arith.constant 0 : i32
    %dma_start3A_96 = tpu.memref_slice %arg9[%dma_start3A_92, %dma_start3A_95] : memref<8x128xi32, #tpu.memory_space<vmem>> -> memref<1x128xi32, #tpu.memory_space<vmem>>
    %dma_start3A_97 = tpu.memref_squeeze %dma_start3A_96 : memref<1x128xi32, #tpu.memory_space<vmem>> -> memref<128xi32, #tpu.memory_space<vmem>>
    %dma_start3A_98 = arith.constant 0 : i32
    %dma_start3A_99 = tpu.memref_slice %arg4[%dma_start3A_98] : memref<4128768xf32, #tpu.memory_space<hbm>> -> memref<4128768xf32, #tpu.memory_space<hbm>>
    tpu.enqueue_indirect_dma source(%dma_start3A_99 : memref<4128768xf32, #tpu.memory_space<hbm>>) target(%dma_start3A_94 : memref<128xf32, #tpu.memory_space<vmem>>) offsets(%dma_start3A_97 : memref<128xi32, #tpu.memory_space<vmem>>) semaphore(%arg14 : memref<!tpu.dma_semaphore, #tpu.memory_space<semaphore_mem>>)
    %dma_start3A_100 = arith.constant 4 : i32
    %dma_start3A_101 = arith.constant 512 : i32
    %dma_start3A_102 = tpu.memref_slice %arg11[%dma_start3A_101] : memref<1024xf32, #tpu.memory_space<vmem>> -> memref<128xf32, #tpu.memory_space<vmem>>
    %dma_start3A_103 = arith.constant 0 : i32
    %dma_start3A_104 = tpu.memref_slice %arg9[%dma_start3A_100, %dma_start3A_103] : memref<8x128xi32, #tpu.memory_space<vmem>> -> memref<1x128xi32, #tpu.memory_space<vmem>>
    %dma_start3A_105 = tpu.memref_squeeze %dma_start3A_104 : memref<1x128xi32, #tpu.memory_space<vmem>> -> memref<128xi32, #tpu.memory_space<vmem>>
    %dma_start3A_106 = arith.constant 0 : i32
    %dma_start3A_107 = tpu.memref_slice %arg4[%dma_start3A_106] : memref<4128768xf32, #tpu.memory_space<hbm>> -> memref<4128768xf32, #tpu.memory_space<hbm>>
    tpu.enqueue_indirect_dma source(%dma_start3A_107 : memref<4128768xf32, #tpu.memory_space<hbm>>) target(%dma_start3A_102 : memref<128xf32, #tpu.memory_space<vmem>>) offsets(%dma_start3A_105 : memref<128xi32, #tpu.memory_space<vmem>>) semaphore(%arg14 : memref<!tpu.dma_semaphore, #tpu.memory_space<semaphore_mem>>)
    %dma_start3A_108 = arith.constant 5 : i32
    %dma_start3A_109 = arith.constant 640 : i32
    %dma_start3A_110 = tpu.memref_slice %arg11[%dma_start3A_109] : memref<1024xf32, #tpu.memory_space<vmem>> -> memref<128xf32, #tpu.memory_space<vmem>>
    %dma_start3A_111 = arith.constant 0 : i32
    %dma_start3A_112 = tpu.memref_slice %arg9[%dma_start3A_108, %dma_start3A_111] : memref<8x128xi32, #tpu.memory_space<vmem>> -> memref<1x128xi32, #tpu.memory_space<vmem>>
    %dma_start3A_113 = tpu.memref_squeeze %dma_start3A_112 : memref<1x128xi32, #tpu.memory_space<vmem>> -> memref<128xi32, #tpu.memory_space<vmem>>
    %dma_start3A_114 = arith.constant 0 : i32
    %dma_start3A_115 = tpu.memref_slice %arg4[%dma_start3A_114] : memref<4128768xf32, #tpu.memory_space<hbm>> -> memref<4128768xf32, #tpu.memory_space<hbm>>
    tpu.enqueue_indirect_dma source(%dma_start3A_115 : memref<4128768xf32, #tpu.memory_space<hbm>>) target(%dma_start3A_110 : memref<128xf32, #tpu.memory_space<vmem>>) offsets(%dma_start3A_113 : memref<128xi32, #tpu.memory_space<vmem>>) semaphore(%arg14 : memref<!tpu.dma_semaphore, #tpu.memory_space<semaphore_mem>>)
    %dma_start3A_116 = arith.constant 6 : i32
    %dma_start3A_117 = arith.constant 768 : i32
    %dma_start3A_118 = tpu.memref_slice %arg11[%dma_start3A_117] : memref<1024xf32, #tpu.memory_space<vmem>> -> memref<128xf32, #tpu.memory_space<vmem>>
    %dma_start3A_119 = arith.constant 0 : i32
    %dma_start3A_120 = tpu.memref_slice %arg9[%dma_start3A_116, %dma_start3A_119] : memref<8x128xi32, #tpu.memory_space<vmem>> -> memref<1x128xi32, #tpu.memory_space<vmem>>
    %dma_start3A_121 = tpu.memref_squeeze %dma_start3A_120 : memref<1x128xi32, #tpu.memory_space<vmem>> -> memref<128xi32, #tpu.memory_space<vmem>>
    %dma_start3A_122 = arith.constant 0 : i32
    %dma_start3A_123 = tpu.memref_slice %arg4[%dma_start3A_122] : memref<4128768xf32, #tpu.memory_space<hbm>> -> memref<4128768xf32, #tpu.memory_space<hbm>>
    tpu.enqueue_indirect_dma source(%dma_start3A_123 : memref<4128768xf32, #tpu.memory_space<hbm>>) target(%dma_start3A_118 : memref<128xf32, #tpu.memory_space<vmem>>) offsets(%dma_start3A_121 : memref<128xi32, #tpu.memory_space<vmem>>) semaphore(%arg14 : memref<!tpu.dma_semaphore, #tpu.memory_space<semaphore_mem>>)
    %dma_start3A_124 = arith.constant 7 : i32
    %dma_start3A_125 = arith.constant 896 : i32
    %dma_start3A_126 = tpu.memref_slice %arg11[%dma_start3A_125] : memref<1024xf32, #tpu.memory_space<vmem>> -> memref<128xf32, #tpu.memory_space<vmem>>
    %dma_start3A_127 = arith.constant 0 : i32
    %dma_start3A_128 = tpu.memref_slice %arg9[%dma_start3A_124, %dma_start3A_127] : memref<8x128xi32, #tpu.memory_space<vmem>> -> memref<1x128xi32, #tpu.memory_space<vmem>>
    %dma_start3A_129 = tpu.memref_squeeze %dma_start3A_128 : memref<1x128xi32, #tpu.memory_space<vmem>> -> memref<128xi32, #tpu.memory_space<vmem>>
    %dma_start3A_130 = arith.constant 0 : i32
    %dma_start3A_131 = tpu.memref_slice %arg4[%dma_start3A_130] : memref<4128768xf32, #tpu.memory_space<hbm>> -> memref<4128768xf32, #tpu.memory_space<hbm>>
    tpu.enqueue_indirect_dma source(%dma_start3A_131 : memref<4128768xf32, #tpu.memory_space<hbm>>) target(%dma_start3A_126 : memref<128xf32, #tpu.memory_space<vmem>>) offsets(%dma_start3A_129 : memref<128xi32, #tpu.memory_space<vmem>>) semaphore(%arg14 : memref<!tpu.dma_semaphore, #tpu.memory_space<semaphore_mem>>)
    "tpu.region"() ({
      %run_scoped3A = tpu.sem_alloc : memref<!tpu.dma_semaphore, #tpu.memory_space<semaphore_mem>>
      tpu.enqueue_dma source(%arg5 : memref<16xf32, #tpu.memory_space<hbm>>) target(%arg13 : memref<16xf32, #tpu.memory_space<vmem>>) target_semaphore(%run_scoped3A : memref<!tpu.dma_semaphore, #tpu.memory_space<semaphore_mem>>)
      tpu.wait_dma2 semaphore(%run_scoped3A : memref<!tpu.dma_semaphore, #tpu.memory_space<semaphore_mem>>) src(%arg5 : memref<16xf32, #tpu.memory_space<hbm>>) dst(%arg13 : memref<16xf32, #tpu.memory_space<vmem>>)
      tpu.yield
    }) : () -> ()
    %get3A = arith.constant 0 : index
    %get3A_132 = tpu.vector_load %arg13[%get3A] {strides = array<i32>} : memref<16xf32, #tpu.memory_space<vmem>>, vector<16xf32>,
    %slice3A = vector.extract_strided_slice %get3A_132 {offsets = [0], sizes = [1], strides = [1]} : vector<16xf32> to vector<1xf32>
    %squeeze3A = vector.extract %slice3A[0] : f32 from vector<1xf32>
    %dma_wait3A = arith.constant 0 : i32
    %dma_wait3A_133 = arith.constant 0 : i32
    %dma_wait3A_134 = tpu.memref_slice %arg10[%dma_wait3A_133] : memref<1024xf32, #tpu.memory_space<vmem>> -> memref<128xf32, #tpu.memory_space<vmem>>
    %dma_wait3A_135 = arith.constant 0 : i32
    %dma_wait3A_136 = tpu.memref_slice %arg8[%dma_wait3A, %dma_wait3A_135] : memref<8x128xi32, #tpu.memory_space<vmem>> -> memref<1x128xi32, #tpu.memory_space<vmem>>
    %dma_wait3A_137 = tpu.memref_squeeze %dma_wait3A_136 : memref<1x128xi32, #tpu.memory_space<vmem>> -> memref<128xi32, #tpu.memory_space<vmem>>
    %dma_wait3A_138 = arith.constant 0 : i32
    %dma_wait3A_139 = tpu.memref_slice %arg4[%dma_wait3A_138] : memref<4128768xf32, #tpu.memory_space<hbm>> -> memref<4128768xf32, #tpu.memory_space<hbm>>
    tpu.wait_indirect_dma semaphore(%arg14 : memref<!tpu.dma_semaphore, #tpu.memory_space<semaphore_mem>>) src(%dma_wait3A_139 : memref<4128768xf32, #tpu.memory_space<hbm>>) dst(%dma_wait3A_134 : memref<128xf32, #tpu.memory_space<vmem>>)
    %dma_wait3A_140 = arith.constant 1 : i32
    %dma_wait3A_141 = arith.constant 128 : i32
    %dma_wait3A_142 = tpu.memref_slice %arg10[%dma_wait3A_141] : memref<1024xf32, #tpu.memory_space<vmem>> -> memref<128xf32, #tpu.memory_space<vmem>>
    %dma_wait3A_143 = arith.constant 0 : i32
    %dma_wait3A_144 = tpu.memref_slice %arg8[%dma_wait3A_140, %dma_wait3A_143] : memref<8x128xi32, #tpu.memory_space<vmem>> -> memref<1x128xi32, #tpu.memory_space<vmem>>
    %dma_wait3A_145 = tpu.memref_squeeze %dma_wait3A_144 : memref<1x128xi32, #tpu.memory_space<vmem>> -> memref<128xi32, #tpu.memory_space<vmem>>
    %dma_wait3A_146 = arith.constant 0 : i32
    %dma_wait3A_147 = tpu.memref_slice %arg4[%dma_wait3A_146] : memref<4128768xf32, #tpu.memory_space<hbm>> -> memref<4128768xf32, #tpu.memory_space<hbm>>
    tpu.wait_indirect_dma semaphore(%arg14 : memref<!tpu.dma_semaphore, #tpu.memory_space<semaphore_mem>>) src(%dma_wait3A_147 : memref<4128768xf32, #tpu.memory_space<hbm>>) dst(%dma_wait3A_142 : memref<128xf32, #tpu.memory_space<vmem>>)
    %dma_wait3A_148 = arith.constant 2 : i32
    %dma_wait3A_149 = arith.constant 256 : i32
    %dma_wait3A_150 = tpu.memref_slice %arg10[%dma_wait3A_149] : memref<1024xf32, #tpu.memory_space<vmem>> -> memref<128xf32, #tpu.memory_space<vmem>>
    %dma_wait3A_151 = arith.constant 0 : i32
    %dma_wait3A_152 = tpu.memref_slice %arg8[%dma_wait3A_148, %dma_wait3A_151] : memref<8x128xi32, #tpu.memory_space<vmem>> -> memref<1x128xi32, #tpu.memory_space<vmem>>
    %dma_wait3A_153 = tpu.memref_squeeze %dma_wait3A_152 : memref<1x128xi32, #tpu.memory_space<vmem>> -> memref<128xi32, #tpu.memory_space<vmem>>
    %dma_wait3A_154 = arith.constant 0 : i32
    %dma_wait3A_155 = tpu.memref_slice %arg4[%dma_wait3A_154] : memref<4128768xf32, #tpu.memory_space<hbm>> -> memref<4128768xf32, #tpu.memory_space<hbm>>
    tpu.wait_indirect_dma semaphore(%arg14 : memref<!tpu.dma_semaphore, #tpu.memory_space<semaphore_mem>>) src(%dma_wait3A_155 : memref<4128768xf32, #tpu.memory_space<hbm>>) dst(%dma_wait3A_150 : memref<128xf32, #tpu.memory_space<vmem>>)
    %dma_wait3A_156 = arith.constant 3 : i32
    %dma_wait3A_157 = arith.constant 384 : i32
    %dma_wait3A_158 = tpu.memref_slice %arg10[%dma_wait3A_157] : memref<1024xf32, #tpu.memory_space<vmem>> -> memref<128xf32, #tpu.memory_space<vmem>>
    %dma_wait3A_159 = arith.constant 0 : i32
    %dma_wait3A_160 = tpu.memref_slice %arg8[%dma_wait3A_156, %dma_wait3A_159] : memref<8x128xi32, #tpu.memory_space<vmem>> -> memref<1x128xi32, #tpu.memory_space<vmem>>
    %dma_wait3A_161 = tpu.memref_squeeze %dma_wait3A_160 : memref<1x128xi32, #tpu.memory_space<vmem>> -> memref<128xi32, #tpu.memory_space<vmem>>
    %dma_wait3A_162 = arith.constant 0 : i32
    %dma_wait3A_163 = tpu.memref_slice %arg4[%dma_wait3A_162] : memref<4128768xf32, #tpu.memory_space<hbm>> -> memref<4128768xf32, #tpu.memory_space<hbm>>
    tpu.wait_indirect_dma semaphore(%arg14 : memref<!tpu.dma_semaphore, #tpu.memory_space<semaphore_mem>>) src(%dma_wait3A_163 : memref<4128768xf32, #tpu.memory_space<hbm>>) dst(%dma_wait3A_158 : memref<128xf32, #tpu.memory_space<vmem>>)
    %dma_wait3A_164 = arith.constant 4 : i32
    %dma_wait3A_165 = arith.constant 512 : i32
    %dma_wait3A_166 = tpu.memref_slice %arg10[%dma_wait3A_165] : memref<1024xf32, #tpu.memory_space<vmem>> -> memref<128xf32, #tpu.memory_space<vmem>>
    %dma_wait3A_167 = arith.constant 0 : i32
    %dma_wait3A_168 = tpu.memref_slice %arg8[%dma_wait3A_164, %dma_wait3A_167] : memref<8x128xi32, #tpu.memory_space<vmem>> -> memref<1x128xi32, #tpu.memory_space<vmem>>
    %dma_wait3A_169 = tpu.memref_squeeze %dma_wait3A_168 : memref<1x128xi32, #tpu.memory_space<vmem>> -> memref<128xi32, #tpu.memory_space<vmem>>
    %dma_wait3A_170 = arith.constant 0 : i32
    %dma_wait3A_171 = tpu.memref_slice %arg4[%dma_wait3A_170] : memref<4128768xf32, #tpu.memory_space<hbm>> -> memref<4128768xf32, #tpu.memory_space<hbm>>
    tpu.wait_indirect_dma semaphore(%arg14 : memref<!tpu.dma_semaphore, #tpu.memory_space<semaphore_mem>>) src(%dma_wait3A_171 : memref<4128768xf32, #tpu.memory_space<hbm>>) dst(%dma_wait3A_166 : memref<128xf32, #tpu.memory_space<vmem>>)
    %dma_wait3A_172 = arith.constant 5 : i32
    %dma_wait3A_173 = arith.constant 640 : i32
    %dma_wait3A_174 = tpu.memref_slice %arg10[%dma_wait3A_173] : memref<1024xf32, #tpu.memory_space<vmem>> -> memref<128xf32, #tpu.memory_space<vmem>>
    %dma_wait3A_175 = arith.constant 0 : i32
    %dma_wait3A_176 = tpu.memref_slice %arg8[%dma_wait3A_172, %dma_wait3A_175] : memref<8x128xi32, #tpu.memory_space<vmem>> -> memref<1x128xi32, #tpu.memory_space<vmem>>
    %dma_wait3A_177 = tpu.memref_squeeze %dma_wait3A_176 : memref<1x128xi32, #tpu.memory_space<vmem>> -> memref<128xi32, #tpu.memory_space<vmem>>
    %dma_wait3A_178 = arith.constant 0 : i32
    %dma_wait3A_179 = tpu.memref_slice %arg4[%dma_wait3A_178] : memref<4128768xf32, #tpu.memory_space<hbm>> -> memref<4128768xf32, #tpu.memory_space<hbm>>
    tpu.wait_indirect_dma semaphore(%arg14 : memref<!tpu.dma_semaphore, #tpu.memory_space<semaphore_mem>>) src(%dma_wait3A_179 : memref<4128768xf32, #tpu.memory_space<hbm>>) dst(%dma_wait3A_174 : memref<128xf32, #tpu.memory_space<vmem>>)
    %dma_wait3A_180 = arith.constant 6 : i32
    %dma_wait3A_181 = arith.constant 768 : i32
    %dma_wait3A_182 = tpu.memref_slice %arg10[%dma_wait3A_181] : memref<1024xf32, #tpu.memory_space<vmem>> -> memref<128xf32, #tpu.memory_space<vmem>>
    %dma_wait3A_183 = arith.constant 0 : i32
    %dma_wait3A_184 = tpu.memref_slice %arg8[%dma_wait3A_180, %dma_wait3A_183] : memref<8x128xi32, #tpu.memory_space<vmem>> -> memref<1x128xi32, #tpu.memory_space<vmem>>
    %dma_wait3A_185 = tpu.memref_squeeze %dma_wait3A_184 : memref<1x128xi32, #tpu.memory_space<vmem>> -> memref<128xi32, #tpu.memory_space<vmem>>
    %dma_wait3A_186 = arith.constant 0 : i32
    %dma_wait3A_187 = tpu.memref_slice %arg4[%dma_wait3A_186] : memref<4128768xf32, #tpu.memory_space<hbm>> -> memref<4128768xf32, #tpu.memory_space<hbm>>
    tpu.wait_indirect_dma semaphore(%arg14 : memref<!tpu.dma_semaphore, #tpu.memory_space<semaphore_mem>>) src(%dma_wait3A_187 : memref<4128768xf32, #tpu.memory_space<hbm>>) dst(%dma_wait3A_182 : memref<128xf32, #tpu.memory_space<vmem>>)
    %dma_wait3A_188 = arith.constant 7 : i32
    %dma_wait3A_189 = arith.constant 896 : i32
    %dma_wait3A_190 = tpu.memref_slice %arg10[%dma_wait3A_189] : memref<1024xf32, #tpu.memory_space<vmem>> -> memref<128xf32, #tpu.memory_space<vmem>>
    %dma_wait3A_191 = arith.constant 0 : i32
    %dma_wait3A_192 = tpu.memref_slice %arg8[%dma_wait3A_188, %dma_wait3A_191] : memref<8x128xi32, #tpu.memory_space<vmem>> -> memref<1x128xi32, #tpu.memory_space<vmem>>
    %dma_wait3A_193 = tpu.memref_squeeze %dma_wait3A_192 : memref<1x128xi32, #tpu.memory_space<vmem>> -> memref<128xi32, #tpu.memory_space<vmem>>
    %dma_wait3A_194 = arith.constant 0 : i32
    %dma_wait3A_195 = tpu.memref_slice %arg4[%dma_wait3A_194] : memref<4128768xf32, #tpu.memory_space<hbm>> -> memref<4128768xf32, #tpu.memory_space<hbm>>
    tpu.wait_indirect_dma semaphore(%arg14 : memref<!tpu.dma_semaphore, #tpu.memory_space<semaphore_mem>>) src(%dma_wait3A_195 : memref<4128768xf32, #tpu.memory_space<hbm>>) dst(%dma_wait3A_190 : memref<128xf32, #tpu.memory_space<vmem>>)
    %dma_wait3A_196 = arith.constant 0 : i32
    %dma_wait3A_197 = arith.constant 0 : i32
    %dma_wait3A_198 = tpu.memref_slice %arg11[%dma_wait3A_197] : memref<1024xf32, #tpu.memory_space<vmem>> -> memref<128xf32, #tpu.memory_space<vmem>>
    %dma_wait3A_199 = arith.constant 0 : i32
    %dma_wait3A_200 = tpu.memref_slice %arg9[%dma_wait3A_196, %dma_wait3A_199] : memref<8x128xi32, #tpu.memory_space<vmem>> -> memref<1x128xi32, #tpu.memory_space<vmem>>
    %dma_wait3A_201 = tpu.memref_squeeze %dma_wait3A_200 : memref<1x128xi32, #tpu.memory_space<vmem>> -> memref<128xi32, #tpu.memory_space<vmem>>
    %dma_wait3A_202 = arith.constant 0 : i32
    %dma_wait3A_203 = tpu.memref_slice %arg4[%dma_wait3A_202] : memref<4128768xf32, #tpu.memory_space<hbm>> -> memref<4128768xf32, #tpu.memory_space<hbm>>
    tpu.wait_indirect_dma semaphore(%arg14 : memref<!tpu.dma_semaphore, #tpu.memory_space<semaphore_mem>>) src(%dma_wait3A_203 : memref<4128768xf32, #tpu.memory_space<hbm>>) dst(%dma_wait3A_198 : memref<128xf32, #tpu.memory_space<vmem>>)
    %dma_wait3A_204 = arith.constant 1 : i32
    %dma_wait3A_205 = arith.constant 128 : i32
    %dma_wait3A_206 = tpu.memref_slice %arg11[%dma_wait3A_205] : memref<1024xf32, #tpu.memory_space<vmem>> -> memref<128xf32, #tpu.memory_space<vmem>>
    %dma_wait3A_207 = arith.constant 0 : i32
    %dma_wait3A_208 = tpu.memref_slice %arg9[%dma_wait3A_204, %dma_wait3A_207] : memref<8x128xi32, #tpu.memory_space<vmem>> -> memref<1x128xi32, #tpu.memory_space<vmem>>
    %dma_wait3A_209 = tpu.memref_squeeze %dma_wait3A_208 : memref<1x128xi32, #tpu.memory_space<vmem>> -> memref<128xi32, #tpu.memory_space<vmem>>
    %dma_wait3A_210 = arith.constant 0 : i32
    %dma_wait3A_211 = tpu.memref_slice %arg4[%dma_wait3A_210] : memref<4128768xf32, #tpu.memory_space<hbm>> -> memref<4128768xf32, #tpu.memory_space<hbm>>
    tpu.wait_indirect_dma semaphore(%arg14 : memref<!tpu.dma_semaphore, #tpu.memory_space<semaphore_mem>>) src(%dma_wait3A_211 : memref<4128768xf32, #tpu.memory_space<hbm>>) dst(%dma_wait3A_206 : memref<128xf32, #tpu.memory_space<vmem>>)
    %dma_wait3A_212 = arith.constant 2 : i32
    %dma_wait3A_213 = arith.constant 256 : i32
    %dma_wait3A_214 = tpu.memref_slice %arg11[%dma_wait3A_213] : memref<1024xf32, #tpu.memory_space<vmem>> -> memref<128xf32, #tpu.memory_space<vmem>>
    %dma_wait3A_215 = arith.constant 0 : i32
    %dma_wait3A_216 = tpu.memref_slice %arg9[%dma_wait3A_212, %dma_wait3A_215] : memref<8x128xi32, #tpu.memory_space<vmem>> -> memref<1x128xi32, #tpu.memory_space<vmem>>
    %dma_wait3A_217 = tpu.memref_squeeze %dma_wait3A_216 : memref<1x128xi32, #tpu.memory_space<vmem>> -> memref<128xi32, #tpu.memory_space<vmem>>
    %dma_wait3A_218 = arith.constant 0 : i32
    %dma_wait3A_219 = tpu.memref_slice %arg4[%dma_wait3A_218] : memref<4128768xf32, #tpu.memory_space<hbm>> -> memref<4128768xf32, #tpu.memory_space<hbm>>
    tpu.wait_indirect_dma semaphore(%arg14 : memref<!tpu.dma_semaphore, #tpu.memory_space<semaphore_mem>>) src(%dma_wait3A_219 : memref<4128768xf32, #tpu.memory_space<hbm>>) dst(%dma_wait3A_214 : memref<128xf32, #tpu.memory_space<vmem>>)
    %dma_wait3A_220 = arith.constant 3 : i32
    %dma_wait3A_221 = arith.constant 384 : i32
    %dma_wait3A_222 = tpu.memref_slice %arg11[%dma_wait3A_221] : memref<1024xf32, #tpu.memory_space<vmem>> -> memref<128xf32, #tpu.memory_space<vmem>>
    %dma_wait3A_223 = arith.constant 0 : i32
    %dma_wait3A_224 = tpu.memref_slice %arg9[%dma_wait3A_220, %dma_wait3A_223] : memref<8x128xi32, #tpu.memory_space<vmem>> -> memref<1x128xi32, #tpu.memory_space<vmem>>
    %dma_wait3A_225 = tpu.memref_squeeze %dma_wait3A_224 : memref<1x128xi32, #tpu.memory_space<vmem>> -> memref<128xi32, #tpu.memory_space<vmem>>
    %dma_wait3A_226 = arith.constant 0 : i32
    %dma_wait3A_227 = tpu.memref_slice %arg4[%dma_wait3A_226] : memref<4128768xf32, #tpu.memory_space<hbm>> -> memref<4128768xf32, #tpu.memory_space<hbm>>
    tpu.wait_indirect_dma semaphore(%arg14 : memref<!tpu.dma_semaphore, #tpu.memory_space<semaphore_mem>>) src(%dma_wait3A_227 : memref<4128768xf32, #tpu.memory_space<hbm>>) dst(%dma_wait3A_222 : memref<128xf32, #tpu.memory_space<vmem>>)
    %dma_wait3A_228 = arith.constant 4 : i32
    %dma_wait3A_229 = arith.constant 512 : i32
    %dma_wait3A_230 = tpu.memref_slice %arg11[%dma_wait3A_229] : memref<1024xf32, #tpu.memory_space<vmem>> -> memref<128xf32, #tpu.memory_space<vmem>>
    %dma_wait3A_231 = arith.constant 0 : i32
    %dma_wait3A_232 = tpu.memref_slice %arg9[%dma_wait3A_228, %dma_wait3A_231] : memref<8x128xi32, #tpu.memory_space<vmem>> -> memref<1x128xi32, #tpu.memory_space<vmem>>
    %dma_wait3A_233 = tpu.memref_squeeze %dma_wait3A_232 : memref<1x128xi32, #tpu.memory_space<vmem>> -> memref<128xi32, #tpu.memory_space<vmem>>
    %dma_wait3A_234 = arith.constant 0 : i32
    %dma_wait3A_235 = tpu.memref_slice %arg4[%dma_wait3A_234] : memref<4128768xf32, #tpu.memory_space<hbm>> -> memref<4128768xf32, #tpu.memory_space<hbm>>
    tpu.wait_indirect_dma semaphore(%arg14 : memref<!tpu.dma_semaphore, #tpu.memory_space<semaphore_mem>>) src(%dma_wait3A_235 : memref<4128768xf32, #tpu.memory_space<hbm>>) dst(%dma_wait3A_230 : memref<128xf32, #tpu.memory_space<vmem>>)
    %dma_wait3A_236 = arith.constant 5 : i32
    %dma_wait3A_237 = arith.constant 640 : i32
    %dma_wait3A_238 = tpu.memref_slice %arg11[%dma_wait3A_237] : memref<1024xf32, #tpu.memory_space<vmem>> -> memref<128xf32, #tpu.memory_space<vmem>>
    %dma_wait3A_239 = arith.constant 0 : i32
    %dma_wait3A_240 = tpu.memref_slice %arg9[%dma_wait3A_236, %dma_wait3A_239] : memref<8x128xi32, #tpu.memory_space<vmem>> -> memref<1x128xi32, #tpu.memory_space<vmem>>
    %dma_wait3A_241 = tpu.memref_squeeze %dma_wait3A_240 : memref<1x128xi32, #tpu.memory_space<vmem>> -> memref<128xi32, #tpu.memory_space<vmem>>
    %dma_wait3A_242 = arith.constant 0 : i32
    %dma_wait3A_243 = tpu.memref_slice %arg4[%dma_wait3A_242] : memref<4128768xf32, #tpu.memory_space<hbm>> -> memref<4128768xf32, #tpu.memory_space<hbm>>
    tpu.wait_indirect_dma semaphore(%arg14 : memref<!tpu.dma_semaphore, #tpu.memory_space<semaphore_mem>>) src(%dma_wait3A_243 : memref<4128768xf32, #tpu.memory_space<hbm>>) dst(%dma_wait3A_238 : memref<128xf32, #tpu.memory_space<vmem>>)
    %dma_wait3A_244 = arith.constant 6 : i32
    %dma_wait3A_245 = arith.constant 768 : i32
    %dma_wait3A_246 = tpu.memref_slice %arg11[%dma_wait3A_245] : memref<1024xf32, #tpu.memory_space<vmem>> -> memref<128xf32, #tpu.memory_space<vmem>>
    %dma_wait3A_247 = arith.constant 0 : i32
    %dma_wait3A_248 = tpu.memref_slice %arg9[%dma_wait3A_244, %dma_wait3A_247] : memref<8x128xi32, #tpu.memory_space<vmem>> -> memref<1x128xi32, #tpu.memory_space<vmem>>
    %dma_wait3A_249 = tpu.memref_squeeze %dma_wait3A_248 : memref<1x128xi32, #tpu.memory_space<vmem>> -> memref<128xi32, #tpu.memory_space<vmem>>
    %dma_wait3A_250 = arith.constant 0 : i32
    %dma_wait3A_251 = tpu.memref_slice %arg4[%dma_wait3A_250] : memref<4128768xf32, #tpu.memory_space<hbm>> -> memref<4128768xf32, #tpu.memory_space<hbm>>
    tpu.wait_indirect_dma semaphore(%arg14 : memref<!tpu.dma_semaphore, #tpu.memory_space<semaphore_mem>>) src(%dma_wait3A_251 : memref<4128768xf32, #tpu.memory_space<hbm>>) dst(%dma_wait3A_246 : memref<128xf32, #tpu.memory_space<vmem>>)
    %dma_wait3A_252 = arith.constant 7 : i32
    %dma_wait3A_253 = arith.constant 896 : i32
    %dma_wait3A_254 = tpu.memref_slice %arg11[%dma_wait3A_253] : memref<1024xf32, #tpu.memory_space<vmem>> -> memref<128xf32, #tpu.memory_space<vmem>>
    %dma_wait3A_255 = arith.constant 0 : i32
    %dma_wait3A_256 = tpu.memref_slice %arg9[%dma_wait3A_252, %dma_wait3A_255] : memref<8x128xi32, #tpu.memory_space<vmem>> -> memref<1x128xi32, #tpu.memory_space<vmem>>
    %dma_wait3A_257 = tpu.memref_squeeze %dma_wait3A_256 : memref<1x128xi32, #tpu.memory_space<vmem>> -> memref<128xi32, #tpu.memory_space<vmem>>
    %dma_wait3A_258 = arith.constant 0 : i32
    %dma_wait3A_259 = tpu.memref_slice %arg4[%dma_wait3A_258] : memref<4128768xf32, #tpu.memory_space<hbm>> -> memref<4128768xf32, #tpu.memory_space<hbm>>
    tpu.wait_indirect_dma semaphore(%arg14 : memref<!tpu.dma_semaphore, #tpu.memory_space<semaphore_mem>>) src(%dma_wait3A_259 : memref<4128768xf32, #tpu.memory_space<hbm>>) dst(%dma_wait3A_254 : memref<128xf32, #tpu.memory_space<vmem>>)
    %scan3A = arith.constant 0 : i32
    %scan3A_260 = arith.constant 0 : i32
    %scan3A_261 = arith.constant 64 : i32
    %scan3A_262 = arith.addi %scan3A_260, %scan3A_261 : i32
    %scan3A_263 = arith.constant 1 : i32
    scf.for %scan3A_271 = %scan3A_260 to %scan3A_262 step %scan3A_263  : i32 {
      %mul3A_272 = arith.constant 16 : i32
      %mul3A_273 = arith.muli %scan3A_271, %mul3A_272 : i32
      %get3A_274 = arith.index_cast %mul3A_273 : i32 to index
      %get3A_275 = tpu.vector_load %arg10[%get3A_274] {strides = array<i32>} : memref<1024xf32, #tpu.memory_space<vmem>>, vector<16xf32>,
      %mul3A_276 = arith.constant 16 : i32
      %mul3A_277 = arith.muli %scan3A_271, %mul3A_276 : i32
      %get3A_278 = arith.index_cast %mul3A_277 : i32 to index
      %get3A_279 = tpu.vector_load %arg11[%get3A_278] {strides = array<i32>} : memref<1024xf32, #tpu.memory_space<vmem>>, vector<16xf32>,
      %add3A_280 = arith.addf %get3A_275, %get3A_279 : vector<16xf32>
      %add3A_281 = vector.broadcast %squeeze3A : f32 to vector<16xf32>
      %add3A_282 = arith.addf %add3A_280, %add3A_281 : vector<16xf32>
      %neg3A = arith.constant 0.000000e+00 : f32
      %neg3A_283 = vector.broadcast %neg3A : f32 to vector<16xf32>
      %neg3A_284 = arith.subf %neg3A_283, %add3A_282 : vector<16xf32>
      %exp3A = math.exp %neg3A_284 : vector<16xf32>
      %add3A_285 = arith.constant 1.000000e+00 : f32
      %add3A_286 = vector.broadcast %add3A_285 : f32 to vector<16xf32>
      %add3A_287 = arith.addf %add3A_286, %exp3A : vector<16xf32>
      %div3A = arith.constant 1.000000e+00 : f32
      %div3A_288 = vector.broadcast %div3A : f32 to vector<16xf32>
      %div3A_289 = arith.divf %div3A_288, %add3A_287 : vector<16xf32>
      %mul3A_290 = arith.constant 16 : i32
      %mul3A_291 = arith.muli %scan3A_271, %mul3A_290 : i32
      %swap3A = arith.index_cast %mul3A_291 : i32 to index
      %swap3A_292 = tpu.vector_load %arg12[%swap3A] {strides = array<i32>} : memref<1024xf32, #tpu.memory_space<vmem>>, vector<16xf32>,
      tpu.vector_store %arg12[%swap3A], %div3A_289 {strides = array<i32>} : memref<1024xf32, #tpu.memory_space<vmem>>, vector<16xf32>,
    }
    %scan3A_264 = arith.constant 64 : i32
    %lt3A = arith.constant 16 : i32
    %lt3A_265 = arith.cmpi slt, %add3A, %lt3A : i32
    %convert_element_type3A = arith.extui %lt3A_265 : i1 to i32
    %cond3A = arith.constant 0 : i32
    %cond3A_266 = arith.cmpi ne, %convert_element_type3A, %cond3A : i32
    scf.if %cond3A_266 {
      %mul3A_271 = arith.constant 1024 : i32
      %mul3A_272 = arith.muli %add3A, %mul3A_271 : i32
      "tpu.region"() ({
        %run_scoped3A = tpu.sem_alloc : memref<!tpu.dma_semaphore, #tpu.memory_space<semaphore_mem>>
        %dma_start3A_273 = tpu.memref_slice %arg6[%mul3A_272] : memref<16384xf32, #tpu.memory_space<hbm>> -> memref<1024xf32, #tpu.memory_space<hbm>>
        %dma_start3A_274 = tpu.memref_slice %arg6[%mul3A_272] : memref<16384xf32, #tpu.memory_space<hbm>> -> memref<1024xf32, #tpu.memory_space<hbm>>
        tpu.enqueue_dma source(%arg12 : memref<1024xf32, #tpu.memory_space<vmem>>) target(%dma_start3A_274 : memref<1024xf32, #tpu.memory_space<hbm>>) target_semaphore(%run_scoped3A : memref<!tpu.dma_semaphore, #tpu.memory_space<semaphore_mem>>)
        %dma_wait3A_275 = tpu.memref_slice %arg6[%mul3A_272] : memref<16384xf32, #tpu.memory_space<hbm>> -> memref<1024xf32, #tpu.memory_space<hbm>>
        %dma_wait3A_276 = tpu.memref_slice %arg6[%mul3A_272] : memref<16384xf32, #tpu.memory_space<hbm>> -> memref<1024xf32, #tpu.memory_space<hbm>>
        tpu.wait_dma2 semaphore(%run_scoped3A : memref<!tpu.dma_semaphore, #tpu.memory_space<semaphore_mem>>) src(%arg12 : memref<1024xf32, #tpu.memory_space<vmem>>) dst(%dma_wait3A_276 : memref<1024xf32, #tpu.memory_space<hbm>>)
        tpu.yield
      }) : () -> ()
    } else {
    }
    %ge3A = arith.constant 16 : i32
    %ge3A_267 = arith.cmpi sge, %add3A, %ge3A : i32
    %convert_element_type3A_268 = arith.extui %ge3A_267 : i1 to i32
    %cond3A_269 = arith.constant 0 : i32
    %cond3A_270 = arith.cmpi ne, %convert_element_type3A_268, %cond3A_269 : i32
    scf.if %cond3A_270 {
      %sub3A = arith.constant 16 : i32
      %sub3A_271 = arith.subi %add3A, %sub3A : i32
      %mul3A_272 = arith.constant 1024 : i32
      %mul3A_273 = arith.muli %sub3A_271, %mul3A_272 : i32
      "tpu.region"() ({
        %run_scoped3A = tpu.sem_alloc : memref<!tpu.dma_semaphore, #tpu.memory_space<semaphore_mem>>
        %dma_start3A_274 = tpu.memref_slice %arg7[%mul3A_273] : memref<16384xf32, #tpu.memory_space<hbm>> -> memref<1024xf32, #tpu.memory_space<hbm>>
        %dma_start3A_275 = tpu.memref_slice %arg7[%mul3A_273] : memref<16384xf32, #tpu.memory_space<hbm>> -> memref<1024xf32, #tpu.memory_space<hbm>>
        tpu.enqueue_dma source(%arg12 : memref<1024xf32, #tpu.memory_space<vmem>>) target(%dma_start3A_275 : memref<1024xf32, #tpu.memory_space<hbm>>) target_semaphore(%run_scoped3A : memref<!tpu.dma_semaphore, #tpu.memory_space<semaphore_mem>>)
        %dma_wait3A_276 = tpu.memref_slice %arg7[%mul3A_273] : memref<16384xf32, #tpu.memory_space<hbm>> -> memref<1024xf32, #tpu.memory_space<hbm>>
        %dma_wait3A_277 = tpu.memref_slice %arg7[%mul3A_273] : memref<16384xf32, #tpu.memory_space<hbm>> -> memref<1024xf32, #tpu.memory_space<hbm>>
        tpu.wait_dma2 semaphore(%run_scoped3A : memref<!tpu.dma_semaphore, #tpu.memory_space<semaphore_mem>>) src(%arg12 : memref<1024xf32, #tpu.memory_space<vmem>>) dst(%dma_wait3A_277 : memref<1024xf32, #tpu.memory_space<hbm>>)
        tpu.yield
      }) : () -> ()
    } else {
    }
    return
  }
}

module attributes {stable_mosaic.version = 14 : i64} {
  func.func @body(%arg0: i32, %arg1: i32, %arg2: memref<1x16x147456xf32, #tpu.memory_space<vmem>>, %arg3: memref<1x16x147456xf32, #tpu.memory_space<vmem>>, %arg4: memref<16x32xf32, #tpu.memory_space<vmem>>, %arg5: memref<32x16xf32, #tpu.memory_space<vmem>>, %arg6: memref<32x1xf32, #tpu.memory_space<vmem>>, %arg7: memref<2x8x18432xf32, #tpu.memory_space<vmem>>) attributes {dimension_semantics = [#tpu.dimension_semantics<arbitrary>, #tpu.dimension_semantics<arbitrary>], iteration_bounds = array<i64: 2, 7>, scalar_prefetch = 0 : i64, scratch_operands = 0 : i64, tpu.core_type = #tpu.core_type<tc>, window_params = [{transform_indices = @transform_0, window_bounds = array<i64: 1, 16, 147456>}, {transform_indices = @transform_1, window_bounds = array<i64: 1, 16, 147456>}, {pipeline_mode = #tpu.pipeline_mode<synchronous>, transform_indices = @transform_2, window_bounds = array<i64: 16, 32>}, {pipeline_mode = #tpu.pipeline_mode<synchronous>, transform_indices = @transform_3, window_bounds = array<i64: 32, 16>}, {pipeline_mode = #tpu.pipeline_mode<synchronous>, transform_indices = @transform_4, window_bounds = array<i64: 32, 1>}, {transform_indices = @transform_5, window_bounds = array<i64: 2, 8, 18432>}]} {
    %get3A = arith.constant 0 : index
    %get3A_0 = arith.constant 0 : index
    %get3A_1 = vector.load %arg6[%get3A, %get3A_0] : memref<32x1xf32, #tpu.memory_space<vmem>>, vector<32x1xf32>
    %slice3A = vector.extract_strided_slice %get3A_1 {offsets = [0, 0], sizes = [16, 1], strides = [1, 1]} : vector<32x1xf32> to vector<16x1xf32>
    %squeeze3A = vector.shape_cast %slice3A : vector<16x1xf32> to vector<16xf32>
    %get3A_2 = arith.constant 0 : index
    %get3A_3 = arith.constant 0 : index
    %get3A_4 = vector.load %arg4[%get3A_2, %get3A_3] : memref<16x32xf32, #tpu.memory_space<vmem>>, vector<16x32xf32>
    %get3A_5 = arith.constant 0 : index
    %get3A_6 = arith.constant 0 : index
    %get3A_7 = vector.load %arg5[%get3A_5, %get3A_6] : memref<32x16xf32, #tpu.memory_space<vmem>>, vector<32x16xf32>
    %slice3A_8 = vector.extract_strided_slice %get3A_1 {offsets = [16, 0], sizes = [16, 1], strides = [1, 1]} : vector<32x1xf32> to vector<16x1xf32>
    %dot_general3A = arith.constant dense<0.000000e+00> : vector<32x1xf32>
    %dot_general3A_9 = tpu.matmul %get3A_7, %slice3A_8, %dot_general3A {dimension_numbers = #tpu.dot_dimension_numbers<[1], [0], [0], [1], [0, 0, 1, 1], [], []>, transpose_lhs_hint = false} : vector<32x16xf32>, vector<16x1xf32>, vector<32x1xf32> -> vector<32x1xf32>
    %dot_general3A_10 = arith.constant dense<0.000000e+00> : vector<16x1xf32>
    %dot_general3A_11 = tpu.matmul %get3A_4, %dot_general3A_9, %dot_general3A_10 {dimension_numbers = #tpu.dot_dimension_numbers<[1], [0], [0], [1], [0, 0, 1, 1], [], []>, transpose_lhs_hint = false} : vector<16x32xf32>, vector<32x1xf32>, vector<16x1xf32> -> vector<16x1xf32>
    %squeeze3A_12 = vector.shape_cast %dot_general3A_11 : vector<16x1xf32> to vector<16xf32>
    %get3A_13 = arith.constant 0 : index
    %get3A_14 = arith.constant 0 : index
    %get3A_15 = arith.constant 0 : index
    %get3A_16 = vector.load %arg2[%get3A_13, %get3A_14, %get3A_15] : memref<1x16x147456xf32, #tpu.memory_space<vmem>>, vector<1x16x147456xf32>
    %get3A_17 = vector.shape_cast %get3A_16 : vector<1x16x147456xf32> to vector<16x147456xf32>
    %get3A_18 = arith.constant 0 : index
    %get3A_19 = arith.constant 0 : index
    %get3A_20 = arith.constant 0 : index
    %get3A_21 = vector.load %arg3[%get3A_18, %get3A_19, %get3A_20] : memref<1x16x147456xf32, #tpu.memory_space<vmem>>, vector<1x16x147456xf32>
    %get3A_22 = vector.shape_cast %get3A_21 : vector<1x16x147456xf32> to vector<16x147456xf32>
    %broadcast_in_dim3A = vector.shape_cast %squeeze3A : vector<16xf32> to vector<16x1xf32>
    %mul3A = vector.broadcast %broadcast_in_dim3A : vector<16x1xf32> to vector<16x147456xf32>
    %mul3A_23 = arith.mulf %get3A_17, %mul3A : vector<16x147456xf32>
    %reduce_sum3A = arith.constant dense<0.000000e+00> : vector<147456xf32>
    %reduce_sum3A_24 = vector.multi_reduction <add>, %mul3A_23, %reduce_sum3A [0] : vector<16x147456xf32> to vector<147456xf32>
    %reshape3A = vector.shape_cast %reduce_sum3A_24 : vector<147456xf32> to vector<8x18432xf32>
    %swap3A = arith.constant 0 : index
    %swap3A_25 = arith.constant 0 : index
    %swap3A_26 = arith.constant 0 : index
    %swap3A_27 = vector.load %arg7[%swap3A, %swap3A_25, %swap3A_26] : memref<2x8x18432xf32, #tpu.memory_space<vmem>>, vector<1x8x18432xf32>
    %swap3A_28 = vector.shape_cast %swap3A_27 : vector<1x8x18432xf32> to vector<8x18432xf32>
    %swap3A_29 = vector.shape_cast %reshape3A : vector<8x18432xf32> to vector<1x8x18432xf32>
    tpu.vector_store %arg7[%swap3A, %swap3A_25, %swap3A_26], %swap3A_29 {strides = array<i32>} : memref<2x8x18432xf32, #tpu.memory_space<vmem>>, vector<1x8x18432xf32>,
    %broadcast_in_dim3A_30 = vector.shape_cast %squeeze3A_12 : vector<16xf32> to vector<16x1xf32>
    %mul3A_31 = vector.broadcast %broadcast_in_dim3A_30 : vector<16x1xf32> to vector<16x147456xf32>
    %mul3A_32 = arith.mulf %get3A_22, %mul3A_31 : vector<16x147456xf32>
    %reduce_sum3A_33 = arith.constant dense<0.000000e+00> : vector<147456xf32>
    %reduce_sum3A_34 = vector.multi_reduction <add>, %mul3A_32, %reduce_sum3A_33 [0] : vector<16x147456xf32> to vector<147456xf32>
    %reshape3A_35 = vector.shape_cast %reduce_sum3A_34 : vector<147456xf32> to vector<8x18432xf32>
    %swap3A_36 = arith.constant 1 : index
    %swap3A_37 = arith.constant 0 : index
    %swap3A_38 = arith.constant 0 : index
    %swap3A_39 = vector.load %arg7[%swap3A_36, %swap3A_37, %swap3A_38] : memref<2x8x18432xf32, #tpu.memory_space<vmem>>, vector<1x8x18432xf32>
    %swap3A_40 = vector.shape_cast %swap3A_39 : vector<1x8x18432xf32> to vector<8x18432xf32>
    %swap3A_41 = vector.shape_cast %reshape3A_35 : vector<8x18432xf32> to vector<1x8x18432xf32>
    tpu.vector_store %arg7[%swap3A_36, %swap3A_37, %swap3A_38], %swap3A_41 {strides = array<i32>} : memref<2x8x18432xf32, #tpu.memory_space<vmem>>, vector<1x8x18432xf32>,
    return
  }
  func.func @transform_0(%arg0: i32, %arg1: i32) -> (i32, i32, i32) {
    %c0_i32 = arith.constant 0 : i32
    %c0_i32_0 = arith.constant 0 : i32
    return %arg0, %c0_i32, %arg1 : i32, i32, i32
  }
  func.func @transform_1(%arg0: i32, %arg1: i32) -> (i32, i32, i32) {
    %c0_i32 = arith.constant 0 : i32
    %c0_i32_0 = arith.constant 0 : i32
    return %arg0, %c0_i32, %arg1 : i32, i32, i32
  }
  func.func @transform_2(%arg0: i32, %arg1: i32) -> (i32, i32) {
    %c0_i32 = arith.constant 0 : i32
    %c0_i32_0 = arith.constant 0 : i32
    %c0_i32_1 = arith.constant 0 : i32
    return %c0_i32, %c0_i32_0 : i32, i32
  }
  func.func @transform_3(%arg0: i32, %arg1: i32) -> (i32, i32) {
    %c0_i32 = arith.constant 0 : i32
    %c0_i32_0 = arith.constant 0 : i32
    %c0_i32_1 = arith.constant 0 : i32
    return %c0_i32, %c0_i32_0 : i32, i32
  }
  func.func @transform_4(%arg0: i32, %arg1: i32) -> (i32, i32) {
    %c0_i32 = arith.constant 0 : i32
    %c0_i32_0 = arith.constant 0 : i32
    %c0_i32_1 = arith.constant 0 : i32
    return %c0_i32, %c0_i32_0 : i32, i32
  }
  func.func @transform_5(%arg0: i32, %arg1: i32) -> (i32, i32, i32) {
    %mul3A = arith.constant 7 : i32
    %mul3A_0 = arith.muli %arg0, %mul3A : i32
    %add3A = arith.addi %mul3A_0, %arg1 : i32
    %c0_i32 = arith.constant 0 : i32
    %c0_i32_1 = arith.constant 0 : i32
    %c0_i32_2 = arith.constant 0 : i32
    return %c0_i32, %add3A, %c0_i32_1 : i32, i32, i32
  }
}

</mosaic_0001>

<sc_bundles>
// kernel: kernel.4.cloned.1.call-start
scs
__scs_entry_jumppad:
0x0: {  	(pc) =	sbr.rel $0x88, $3  }
0x1: {  	(tag) =	ssettag $0x0;
	lr =	simm.s32 $0x1  }
0x2: {  	[smem:$0x3F9A] =	sst lr;
	_ =	strace $0xD0000000  }
0x3: {  	_ = 	snop  }
0x4: {  	_ = 	snop  }
0x5: {  	_ = 	snop  }
0x6: {  	_ = 	snop  }
0x7: {  	_ = 	snop  }
__scs_overlays_trampoline_lowered:
0x8: {  	[smem:$0x3FA9] =	sst s0  }
0x9: {  	[smem:$0x3FAA] =	sst s1  }
0xa: {  	[smem:$0x3FAB] =	sst s2  }
0xb: {  	[smem:$0x3FAC] =	sst s3  }
0xc: {  	[smem:$0x3FAD] =	sst s4  }
0xd: {  	[smem:$0x3FAE] =	sst s5  }
0xe: {  	[smem:$0x3FAF] =	sst s6  }
0xf: {  	[smem:$0x3FB0] =	sst s7  }
0x10: {  	[smem:$0x3FB1] =	sst s8  }
0x11: {  	[smem:$0x3FB2] =	sst s9;
	s0 =	simm.s32 @!p0 $0x0  }
0x12: {  	s1 =	sld [smem:$0x3F98];
	s0 =	simm.s32 @p0 $0x1  }
0x13: {  	[smem:$0x3FB3] =	sst s0;
	s0 =	simm.s32 @!p1 $0x0  }
0x14: {  	s2 =	sld [smem:$0x3F97];
	s0 =	simm.s32 @p1 $0x1  }
0x15: {  	[smem:$0x3FB4] =	sst s0;
	s0 =	simm.s32 @!p2 $0x0  }
0x16: {  	s3 =	sld [smem:$0x3FDB];
	s0 =	simm.s32 @p2 $0x1  }
0x17: {  	s4 =	simm.s32 $0x1BF5;
	[smem:$0x3FB6] =	sst s0  }
0x18: {  	s0 =	sld [smem:$0x3F99];
	_ =	swait.ge [sflag:s4], $0x0  }
0x19: {  	s7 =	sld [smem:$0x3F9A]  }
0x1a: {  	s8 =	sadd.s32 $0xFFFFE003, lr  }
0x1b: {  	s9 =	sadd.s32 $0xFFFFFEF7, lr;
	s5 =	simm.s32 $0xFFFFFFFF;
	p2 =	slt.u32 s8, $0xFFFFF086  }
0x1c: {  	p1 =	slt.u32 s9, $0xF7A;
	s5 =	simm.s32 @!p2 $0x0  }
0x1d: {  	s5 =	simm.s32 @p1 $0x1;
	p0 =	seq.s32 s7, s2  }
0x1e: {  	s7 =	smul.u32 @!p0 $0xF7A, s2;
	p2 =	seq.s32 @!p0 s5, $0x0  }
0x1f: {  	s9 =	smul.u32 $0xF7A, s1;
	s8 =	simm.s32 @!p0 $0x1BF5;
	p2 =	por !p2, p0  }
0x20: {  	[sflag:s8] =	ssyncset.s32 @!p0 $0xFFFFF086;
	s6 =	sadd.s32 @!p0 s3, s7;
	s7 =	simm.s32 @!p0 $0x108  }
0x21: {  	s3 =	sadd.s32 s3, s9;
	s6 =	sadd.s32 @!p0 $0x88, s6;
	s7 =	simm.s32 @p2 $0x1082  }
0x22: {  	[simem:s7], [sflag:s8] =	dma.local @!p0 [hbm:s6], $0xF7A  }
0x23: {  	s9 =	sor.u32 $0xD0000000, s2;
	s6 =	simm.s32 $0x108;
	_ =	swait.ge @!p0 [sflag:s8], $0x0  }
0x24: {  	s3 =	sadd.s32 $0x88, s3;
	s6 =	simm.s32 @!p1 $0x1082;
	[sflag:s4] =	ssyncset.s32 $0xFFFFF086  }
0x25: {  	[simem:s6], [sflag:s4] =	dma.local [hbm:s3], $0xF7A  }
0x26: {  	[smem:$0x3F9A] =	sst s1;
	(tag) =	ssettag s2;
	_ =	strace s9  }
0x27: {  	s1 =	sld [smem:$0x3FAA]  }
0x28: {  	s2 =	sld [smem:$0x3FAB]  }
0x29: {  	s4 =	sld [smem:$0x3FAD]  }
0x2a: {  	p0 =	seq.s32 s5, $0x0;
	s5 =	sld [smem:$0x3FAE]  }
0x2b: {  	s6 =	sld [smem:$0x3FAF]  }
0x2c: {  	s7 =	sld [smem:$0x3FB0]  }
0x2d: {  	s3 =	simm.s32 $0x108;
	s8 =	sld [smem:$0x3FB1]  }
0x2e: {  	s3 =	simm.s32 @!p0 $0x1082;
	s9 =	sld [smem:$0x3FB2]  }
0x2f: {  	lr =	sadd.s32 s0, s3;
	s0 =	sld [smem:$0x3FA9]  }
0x30: {  	s3 =	sld [smem:$0x3FAC]  }
0x31: {  	[smem:$0x3FB5] =	sst s10  }
0x32: {  	s10 =	sld [smem:$0x3FB3];
	_ =	sdelay $0x3  }
0x33: {  	p0 =	seq.s32 s10, $0x1;
	s10 =	sld [smem:$0x3FB5];
	_ =	sdelay $0x3  }
0x34: {  	[smem:$0x3FB5] =	sst s10  }
0x35: {  	s10 =	sld [smem:$0x3FB4];
	_ =	sdelay $0x3  }
0x36: {  	p1 =	seq.s32 s10, $0x1;
	s10 =	sld [smem:$0x3FB5];
	_ =	sdelay $0x3  }
0x37: {  	[smem:$0x3FB5] =	sst s10  }
0x38: {  	s10 =	sld [smem:$0x3FB6]  }
0x39: {  	_ = 	snop;
	(pc) =	sbr.ind lr, $3  }
0x3a: {  	_ = 	snop  }
0x3b: {  	_ = 	snop  }
0x3c: {  	p2 =	seq.s32 s10, $0x1;
	s10 =	sld [smem:$0x3FB5]  }
0x3d: {  	_ =	shalt  }
0x3e: {  	_ =	shalt  }
0x3f: {  	_ =	shalt  }
0x40: {  	_ =	shalt  }
0x41: {  	_ =	shalt  }
0x42: {  	_ =	shalt  }
0x43: {  	_ =	shalt  }
0x44: {  	_ =	shalt  }
0x45: {  	_ =	shalt  }
0x46: {  	_ =	shalt  }
0x47: {  	_ =	shalt  }
0x48: {  	_ =	shalt  }
0x49: {  	_ =	shalt  }
0x4a: {  	_ =	shalt  }
0x4b: {  	_ =	shalt  }
0x4c: {  	_ =	shalt  }
0x4d: {  	_ =	shalt  }
0x4e: {  	_ =	shalt  }
0x4f: {  	_ =	shalt  }
0x50: {  	_ =	shalt  }
0x51: {  	_ =	shalt  }
0x52: {  	_ =	shalt  }
0x53: {  	_ =	shalt  }
0x54: {  	_ =	shalt  }
0x55: {  	_ =	shalt  }
0x56: {  	_ =	shalt  }
0x57: {  	_ =	shalt  }
0x58: {  	_ =	shalt  }
0x59: {  	_ =	shalt  }
0x5a: {  	_ =	shalt  }
0x5b: {  	_ =	shalt  }
0x5c: {  	_ =	shalt  }
0x5d: {  	_ =	shalt  }
0x5e: {  	_ =	shalt  }
0x5f: {  	_ =	shalt  }
0x60: {  	_ =	shalt  }
0x61: {  	_ =	shalt  }
0x62: {  	_ =	shalt  }
0x63: {  	_ =	shalt  }
0x64: {  	_ =	shalt  }
0x65: {  	_ =	shalt  }
0x66: {  	_ =	shalt  }
0x67: {  	_ =	shalt  }
0x68: {  	_ =	shalt  }
0x69: {  	_ =	shalt  }
0x6a: {  	_ =	shalt  }
0x6b: {  	_ =	shalt  }
0x6c: {  	_ =	shalt  }
0x6d: {  	_ =	shalt  }
0x6e: {  	_ =	shalt  }
0x6f: {  	_ =	shalt  }
0x70: {  	_ =	shalt  }
0x71: {  	_ =	shalt  }
0x72: {  	_ =	shalt  }
0x73: {  	_ =	shalt  }
0x74: {  	_ =	shalt  }
0x75: {  	_ =	shalt  }
0x76: {  	_ =	shalt  }
0x77: {  	_ =	shalt  }
0x78: {  	_ =	shalt  }
0x79: {  	_ =	shalt  }
0x7a: {  	_ =	shalt  }
0x7b: {  	_ =	shalt  }
0x7c: {  	_ =	shalt  }
0x7d: {  	_ =	shalt  }
0x7e: {  	_ =	shalt  }
0x7f: {  	_ =	shalt  }
0x80: {  	_ =	shalt  }
0x81: {  	_ =	shalt  }
0x82: {  	_ =	shalt  }
0x83: {  	_ =	shalt  }
0x84: {  	_ =	shalt  }
0x85: {  	_ =	shalt  }
0x86: {  	_ =	shalt  }
0x87: {  	_ =	shalt  }
.Lfunc_end0:
.L_simem_size_0:
called_computation_lowered:
.L_overlay_start_0:
0x88: {  	s2 =	sld [smem:$0x3FD9]  }
0x89: {  	s3 =	sld [smem:$0x3FFE];
	_ =	sdelay $0x1  }
0x8a: {  	s1 =	srdreg.scid  }
0x8b: {  	s0 =	sand.u32 $0x1, s1  }
0x8c: {  	s14 =	sshll.u32 s0, $0xA;
	s2 =	sadd.s32 s3, s2  }
0x8d: {  	s2 =	sadd.s32 s2, s14  }
0x8e: {  	[smem:$0x3FC1] =	sst s2  }
0x8f: {  	_ = 	snop  }
0x90: {  	s2 =	sld [smem:$0x3FD0];
	_ =	sdelay $0x2  }
0x91: {  	s15 =	simm.s32 $0xA;
	s4 =	simm.s32 $0x10  }
0x92: {  	[smem:s4], [sflag:s15] =	dma.local [hbm:s2], $0x1  }
0x93: {  	_ =	swait.eq [sflag:s15], $0x1  }
0x94: {  	[sflag:s15] =	ssyncset.done $0x0  }
0x95: {  	s16 =	sld [smem:$0x10];
	[sflag:s15] =	ssyncadd.s32 $0xFFFFFFFF  }
0x96: {  	s17 =	sld [smem:$0x11];
	(tm) =	ssettm $0x1  }
0x97: {  	s18 =	sld [smem:$0x3FFB];
	_ =	sdelay $0x3  }
0x98: {  	_ =	strace s18  }
0x99: {  	s4 =	sld [smem:$0x3FFC];
	_ =	sdelay $0x3  }
0x9a: {  	_ =	strace s4  }
0x9b: {  	s4 =	sld [smem:$0x3FFD];
	_ =	sdelay $0x3  }
0x9c: {  	_ =	strace s4  }
0x9d: {  	_ =	strace $0x8FFFFFFF  }
0x9e: {  	s19 =	sld [smem:$0x3FDB];
	_ =	sdelay $0x1  }
0x9f: {  	s5 =	simm.s32 $_scs_section_size  }
0xa0: {  	s6 =	simm.s32 $_size__tile_overlayer_lowered;
	s7 =	simm.s32 $_tile_overlayer_lowered  }
0xa1: {  	s22 =	simm.s32 $0x1BFF;
	s21 =	sshll.u32 s7, $0x1;
	s4 =	sadd.s32 s5, s19  }
0xa2: {  	s8 =	simm.s32 $0x0;
	s20 =	sshll.u32 s6, $0x1;
	s6 =	sadd.s32 s21, s4  }
0xa3: {  	[timem:s8], [sflag:s22] =	dma.local [hbm:s6], s20  }
0xa4: {  	_ =	swait.ge [sflag:s22], s20  }
0xa5: {  	s5 =	ssub.s32 $0x0, s20;
	[sflag:s22] =	ssyncset.done $0x0  }
0xa6: {  	[sflag:s22] =	ssyncadd.s32 s5;
	_ =	sdelay $0x1  }
0xa7: {  	s23 =	simm.s32 $0x1B8B  }
0xa8: {  	_ =	swait.ge [sflag:s23], $0x1  }
0xa9: {  	[sflag:s23] =	ssyncset.done $0x0  }
0xaa: {  	s25 =	simm.s32 $0x1B8E;
	s24 =	sld [smem:$0x3FFE];
	[sflag:s23] =	ssyncadd.s32 $0xFFFFFFFF  }
0xab: {  	s26 =	simm.s32 $execute0_lowered;
	[smem:$0x3FD2] =	sst s25  }
0xac: {  	s6 =	sshll.u32 s26, $0x1;
	_ =	strace $0x80000046;
	[dreg:$0x1] =	wrdreg $0xFFFFFFFF  }
0xad: {  	s28 =	simm.s32 $_size_execute0_lowered;
	s4 =	sadd.s32 s4, s6;
	[dreg:$0x0] =	wrdreg $0x0  }
0xae: {  	s6 =	sshll.u32 s28, $0x1;
	[dreg:$0x2] =	wrdreg s4  }
0xaf: {  	[dreg:$0x3] =	wrdreg s6  }
0xb0: {  	[dreg:$0x4] =	wrdreg $0xC0  }
0xb1: {  	_ =	task [dreg:s8], $0x5FFFF  }
0xb2: {  	[dreg:$0x1] =	wrdreg $0xFFFFFFFF  }
0xb3: {  	[dreg:$0x0] =	wrdreg $0x60  }
0xb4: {  	[dreg:$0x2] =	wrdreg s24  }
0xb5: {  	[dreg:$0x3] =	wrdreg s16  }
0xb6: {  	[dreg:$0x4] =	wrdreg s17  }
0xb7: {  	[dreg:$0x5] =	wrdreg $0x9  }
0xb8: {  	_ =	task.clear_ibuf [dreg:s8], $0x6FFFF;
	_ =	strace $0x90000046  }
0xb9: {  	s29 =	simm.s32 $0x9;
	_ =	strace $0x80000048  }
0xba: {  	_ =	swait.ge [sflag:s29], $0x1  }
0xbb: {  	[sflag:s29] =	ssyncadd.s32 $0xFFFFFFFF  }
0xbc: {  	_ =	strace $0x90000048  }
0xbd: {  	_ =	sfence  }
0xbe: {  	s30 =	sld [smem:$0x0];
	_ =	sdelay $0x2  }
0xbf: {  	s31 =	sshll.u32 s1, $0xD;
	s1 =	sshrl.u32 s1, $0x2  }
0xc0: {  	s3 =	sand.u32 $0x4000, s31;
	s1 =	sadd.s32 s1, s30  }
0xc1: {  	s0 =	sor.u32 s3, s0;
	s1 =	sshll.u32 s1, $0x11  }
0xc2: {  	s0 =	sor.u32 s1, s0  }
0xc3: {  	s0 =	sadd.s32 $0x8F2B, s0  }
0xc4: {  	[sflag:s0] =	ssyncadd.remote.s32 $0x1  }
0xc5: {  	_ =	sfence.sel $0xFFFF  }
0xc6: {  	[dreg:$0x0] =	wrdreg $0xFFFFFFFF;
	(pc) =	sbr.abs _section_cstart, $3  }
0xc7: {  	[dreg:$0x1] =	wrdreg $0xFFFFFFFF  }
0xc8: {  	_ =	task.clear_ibuf [dreg:s8], $0x2FFFF;
	_ =	strace $0x9FFFFFFF  }
0xc9: {  	(tm) =	ssettm $0x7FFFFFFF  }
tec
execute0_lowered:
.L_overlay_start_1:
0x0: {  	(tag) =	ssettag $0x1  }
0x1: {  	s0 =	rddreg [dreg:$0x0]  }
0x2: {  	s1 =	rddreg [dreg:$0x1];
	s2 =	srdreg.scid  }
0x3: {  	s11 =	stileid.u32;
	s6 =	rddreg [dreg:$0x2]  }
0x4: {  	s12 =	simm.s32 $0x600;
	s13 =	simm.s32 $0xE00;
	s14 =	simm.s32 $0x680  }
0x5: {  	s15 =	simm.s32 $0xE80;
	s16 =	simm.s32 $0x700;
	s17 =	simm.s32 $0xF00  }
0x6: {  	s18 =	simm.s32 $0x780;
	s19 =	simm.s32 $0xF80;
	s20 =	simm.s32 $0x1400  }
0x7: {  	s21 =	simm.s32 $0x1;
	s22 =	simm.s32 $0x1000;
	s23 =	simm.s32 $0x0  }
0x8: {  	s4 =	sand.u32 $0x1, s2;
	s3 =	sshll.u32 s11, $0x1;
	s2 =	simm.s32 $0x0  }
0x9: {  	p0 =	slt.u32 s11, $0x8;
	s11 =	simm.s32 $0x80;
	s5 =	sor.u32 s4, s3  }
0xa: {  	[smem:$0x7FF] =	sst s2;
	s3 =	sadd.s32 $0x7EE00, s0;
	s9 =	ssub.s32 $0x2, s4  }
0xb: {  	s4 =	sadd.s32 $0x2E00, s0;
	s7 =	sshll.u32 s5, $0x7;
	_ =	strace $0x80000047  }
0xc: {  	s5 =	sshll.u32 s5, $0xA;
	s30 =	sshrl.u32 s9, $0x1;
	s8 =	sadd.s32 s7, s0  }
0xd: {  	s10 =	sadd.s32 $0xFFFFC000, s5;
	s0 =	ssub.s32 s9, s30;
	s1 =	sadd.s32 s1, s7  }
0xe: {  	s9 =	simm.s32 $0x2;
	s5 =	sadd.s32 $0x1E00, s8;
	s31 =	sshrl.u32 s10, $0x3  }
0xf: {  	s7 =	sadd.s32 $0xE00, s8;
	s8 =	smax.u32 s0, $0x1;
	s6 =	sadd.s32 s6, s31  }
0x10: {  	s10 =	simm.s32 $0x400;
	s0 =	simm.s32 $0xD80;
	s6 =	smov.u32 @p0 s1  }
.LBB2_1:
0x11: {  	[tilespmem:s2], [sflag:$0x2] =	stream.linear.gather [hbm4b:s5+s2], $0x400, $0x38;
	[tilespmem:$0x1410] =	vst v63  }
0x12: {  	_ =	swait.ge [sflag:s9], $0x400  }
0x13: {  	[sflag:s9] =	ssyncset.done $0x0  }
0x14: {  	[sflag:s9] =	ssyncadd.s32 $0xFFFFFC00  }
0x15: {  	[tilespmem:s10], [sflag:$0x2] =	stream.linear.gather [hbm4b:s7+s2], $0x400, $0x38;
	[tilespmem:$0x1410] =	vst v63  }
0x16: {  	_ =	swait.ge [sflag:s9], $0x400  }
0x17: {  	[sflag:s9] =	ssyncset.done $0x0  }
0x18: {  	s1 =	simm.s32 $0x800;
	[sflag:s9] =	ssyncadd.s32 $0xFFFFFC00  }
0x19: {  	[tilespmem:s1], [sflag:$0x1] =	stream.indirect.gather [hbm4b:s3+s11], $0x1, s2, s11, $0xb8;
	[tilespmem:$0x1410] =	vst v63  }
0x1a: {  	s25 =	simm.s32 $0x880  }
0x1b: {  	[tilespmem:s25], [sflag:$0x1] =	stream.indirect.gather [hbm4b:s3+s11], $0x1, s11, s11, $0xb8;
	[tilespmem:$0x1410] =	vst v63  }
0x1c: {  	s26 =	simm.s32 $0x100;
	s24 =	simm.s32 $0x900  }
0x1d: {  	[tilespmem:s24], [sflag:$0x1] =	stream.indirect.gather [hbm4b:s3+s11], $0x1, s26, s11, $0xb8;
	[tilespmem:$0x1410] =	vst v63  }
0x1e: {  	s25 =	simm.s32 $0x180;
	s26 =	simm.s32 $0x980  }
0x1f: {  	[tilespmem:s26], [sflag:$0x1] =	stream.indirect.gather [hbm4b:s3+s11], $0x1, s25, s11, $0xb8;
	[tilespmem:$0x1410] =	vst v63  }
0x20: {  	s25 =	simm.s32 $0x200;
	s26 =	simm.s32 $0xA00  }
0x21: {  	[tilespmem:s26], [sflag:$0x1] =	stream.indirect.gather [hbm4b:s3+s11], $0x1, s25, s11, $0xb8;
	[tilespmem:$0x1410] =	vst v63  }
0x22: {  	s25 =	simm.s32 $0x280;
	s26 =	simm.s32 $0xA80  }
0x23: {  	[tilespmem:s26], [sflag:$0x1] =	stream.indirect.gather [hbm4b:s3+s11], $0x1, s25, s11, $0xb8;
	[tilespmem:$0x1410] =	vst v63  }
0x24: {  	s25 =	simm.s32 $0x300;
	s26 =	simm.s32 $0xB00  }
0x25: {  	[tilespmem:s26], [sflag:$0x1] =	stream.indirect.gather [hbm4b:s3+s11], $0x1, s25, s11, $0xb8;
	[tilespmem:$0x1410] =	vst v63  }
0x26: {  	s25 =	simm.s32 $0x380;
	s26 =	simm.s32 $0xB80  }
0x27: {  	[tilespmem:s26], [sflag:$0x1] =	stream.indirect.gather [hbm4b:s3+s11], $0x1, s25, s11, $0xb8;
	[tilespmem:$0x1410] =	vst v63  }
0x28: {  	s24 =	simm.s32 $0xC00  }
0x29: {  	[tilespmem:s24], [sflag:$0x1] =	stream.indirect.gather [hbm4b:s3+s11], $0x1, s10, s11, $0xb8;
	[tilespmem:$0x1410] =	vst v63  }
0x2a: {  	s25 =	simm.s32 $0x480;
	s26 =	simm.s32 $0xC80  }
0x2b: {  	[tilespmem:s26], [sflag:$0x1] =	stream.indirect.gather [hbm4b:s3+s11], $0x1, s25, s11, $0xb8;
	[tilespmem:$0x1410] =	vst v63  }
0x2c: {  	s24 =	simm.s32 $0x500;
	s25 =	simm.s32 $0xD00  }
0x2d: {  	[tilespmem:s25], [sflag:$0x1] =	stream.indirect.gather [hbm4b:s3+s11], $0x1, s24, s11, $0xb8;
	[tilespmem:$0x1410] =	vst v63  }
0x2e: {  	s26 =	simm.s32 $0x580  }
0x2f: {  	[tilespmem:s0], [sflag:$0x1] =	stream.indirect.gather [hbm4b:s3+s11], $0x1, s26, s11, $0xb8;
	[tilespmem:$0x1410] =	vst v63  }
0x30: {  	_ = 	snop  }
0x31: {  	[tilespmem:s13], [sflag:$0x1] =	stream.indirect.gather [hbm4b:s3+s11], $0x1, s12, s11, $0xb8;
	[tilespmem:$0x1410] =	vst v63  }
0x32: {  	_ = 	snop  }
0x33: {  	[tilespmem:s15], [sflag:$0x1] =	stream.indirect.gather [hbm4b:s3+s11], $0x1, s14, s11, $0xb8;
	[tilespmem:$0x1410] =	vst v63  }
0x34: {  	_ = 	snop  }
0x35: {  	[tilespmem:s17], [sflag:$0x1] =	stream.indirect.gather [hbm4b:s3+s11], $0x1, s16, s11, $0xb8;
	[tilespmem:$0x1410] =	vst v63  }
0x36: {  	_ = 	snop  }
0x37: {  	[tilespmem:s19], [sflag:$0x1] =	stream.indirect.gather [hbm4b:s3+s11], $0x1, s18, s11, $0xb8;
	[tilespmem:$0x1410] =	vst v63  }
0x38: {  	_ = 	snop  }
0x39: {  	[tilespmem:s20], [sflag:$0x2] =	stream.linear.gather [hbm4b:s4+s2], $0x10, $0x38;
	[tilespmem:$0x1410] =	vst v63  }
0x3a: {  	_ =	swait.ge [sflag:s9], $0x10  }
0x3b: {  	[sflag:s9] =	ssyncset.done $0x0  }
0x3c: {  	[sflag:s9] =	ssyncadd.s32 $0xFFFFFFF0  }
0x3d: {  	v0 =	vld.msk [tilespmem:$0x1400 ss:$0x0], $0xffff;
	_ =	swait.ge [sflag:s21], $0x80  }
0x3e: {  	[sflag:s21] =	ssyncset.done $0x0  }
0x3f: {  	[sflag:s21] =	ssyncadd.s32 $0xFFFFFF80  }
0x40: {  	_ =	swait.ge [sflag:s21], $0x80  }
0x41: {  	[sflag:s21] =	ssyncset.done $0x0  }
0x42: {  	[sflag:s21] =	ssyncadd.s32 $0xFFFFFF80  }
0x43: {  	_ =	swait.ge [sflag:s21], $0x80  }
0x44: {  	[sflag:s21] =	ssyncset.done $0x0  }
0x45: {  	[sflag:s21] =	ssyncadd.s32 $0xFFFFFF80  }
0x46: {  	_ =	swait.ge [sflag:s21], $0x80  }
0x47: {  	[sflag:s21] =	ssyncset.done $0x0  }
0x48: {  	[sflag:s21] =	ssyncadd.s32 $0xFFFFFF80  }
0x49: {  	_ =	swait.ge [sflag:s21], $0x80  }
0x4a: {  	[sflag:s21] =	ssyncset.done $0x0  }
0x4b: {  	[sflag:s21] =	ssyncadd.s32 $0xFFFFFF80  }
0x4c: {  	_ =	swait.ge [sflag:s21], $0x80  }
0x4d: {  	[sflag:s21] =	ssyncset.done $0x0  }
0x4e: {  	[sflag:s21] =	ssyncadd.s32 $0xFFFFFF80  }
0x4f: {  	_ =	swait.ge [sflag:s21], $0x80  }
0x50: {  	[sflag:s21] =	ssyncset.done $0x0  }
0x51: {  	[sflag:s21] =	ssyncadd.s32 $0xFFFFFF80  }
0x52: {  	_ =	swait.ge [sflag:s21], $0x80  }
0x53: {  	[sflag:s21] =	ssyncset.done $0x0  }
0x54: {  	[sflag:s21] =	ssyncadd.s32 $0xFFFFFF80  }
0x55: {  	_ =	swait.ge [sflag:s21], $0x80  }
0x56: {  	[sflag:s21] =	ssyncset.done $0x0  }
0x57: {  	[sflag:s21] =	ssyncadd.s32 $0xFFFFFF80  }
0x58: {  	_ =	swait.ge [sflag:s21], $0x80  }
0x59: {  	[sflag:s21] =	ssyncset.done $0x0  }
0x5a: {  	[sflag:s21] =	ssyncadd.s32 $0xFFFFFF80  }
0x5b: {  	_ =	swait.ge [sflag:s21], $0x80  }
0x5c: {  	[sflag:s21] =	ssyncset.done $0x0  }
0x5d: {  	[sflag:s21] =	ssyncadd.s32 $0xFFFFFF80  }
0x5e: {  	_ =	swait.ge [sflag:s21], $0x80  }
0x5f: {  	[sflag:s21] =	ssyncset.done $0x0  }
0x60: {  	[sflag:s21] =	ssyncadd.s32 $0xFFFFFF80  }
0x61: {  	_ =	swait.ge [sflag:s21], $0x80  }
0x62: {  	[sflag:s21] =	ssyncset.done $0x0  }
0x63: {  	[sflag:s21] =	ssyncadd.s32 $0xFFFFFF80  }
0x64: {  	_ =	swait.ge [sflag:s21], $0x80  }
0x65: {  	[sflag:s21] =	ssyncset.done $0x0  }
0x66: {  	[sflag:s21] =	ssyncadd.s32 $0xFFFFFF80  }
0x67: {  	_ =	swait.ge [sflag:s21], $0x80  }
0x68: {  	[sflag:s21] =	ssyncset.done $0x0  }
0x69: {  	[sflag:s21] =	ssyncadd.s32 $0xFFFFFF80  }
0x6a: {  	_ =	swait.ge [sflag:s21], $0x80  }
0x6b: {  	[sflag:s21] =	ssyncset.done $0x0  }
0x6c: {  	s24 =	simm.s32 $0x0;
	[sflag:s21] =	ssyncadd.s32 $0xFFFFFF80  }
0x6d: {  	v1 =	vld [tilespmem:s24+$0x800]  }
0x6e: {  	v2 =	vld [tilespmem:s24+$0xC00]  }
0x6f: {  	s25 =	simm.s32 $0x10  }
0x70: {  	v3 =	vld [tilespmem:s25+$0x800]  }
0x71: {  	v4 =	vld [tilespmem:s25+$0xC00];
	_ =	sdelay $0x1  }
0x72: {  	v1 =	vadd.f32 v2, v1;
	_ =	sdelay $0x1  }
0x73: {  	v1 =	vadd.f32 v1, v0  }
0x74: {  	v2 =	vadd.f32 v4, v3  }
0x75: {  	s26 =	simm.s32 $0x20;
	v1 =	vsub.f32 $0.0e+00, v1  }
0x76: {  	v3 =	vld [tilespmem:s26+$0x800];
	v2 =	vadd.f32 v2, v0  }
0x77: {  	v4 =	vld [tilespmem:s26+$0xC00];
	v1 =	vmul.f32 $1.442695020e+00, v1  }
0x78: {  	v2 =	vsub.f32 $0.0e+00, v2  }
0x79: {  	s28 =	simm.s32 $0x30;
	(erf) = vpow2.f32 v1  }
0x7a: {  	v5 =	vld [tilespmem:s28+$0x800];
	v1 =	vmul.f32 $1.442695020e+00, v2  }
0x7b: {  	v2 =	vld [tilespmem:s28+$0xC00]  }
0x7c: {  	(erf) = vpow2.f32 v1;
	v1 =	vadd.f32 v4, v3;
	_ =	sdelay $0x1  }
0x7d: {  	v1 =	vadd.f32 v1, v0;
	_ =	sdelay $0x1  }
0x7e: {  	s29 =	simm.s32 $0x40;
	v2 =	vadd.f32 v2, v5;
	v1 =	vsub.f32 $0.0e+00, v1  }
0x7f: {  	v3 =	vld [tilespmem:s29+$0x800]  }
0x80: {  	v4 =	vld [tilespmem:s29+$0xC00];
	v2 =	vadd.f32 v2, v0;
	v1 =	vmul.f32 $1.442695020e+00, v1;
	v5 =	vpop (erf)  }
0x81: {  	v5 =	vadd.f32 $1.000000000e+00, v5  }
0x82: {  	v2 =	vsub.f32 $0.0e+00, v2;
	(erf) = vpow2.f32 v1  }
0x83: {  	(erf) = vrcp.f32 v5  }
0x84: {  	v2 =	vmul.f32 $1.442695020e+00, v2;
	v1 =	vpop (erf)  }
0x85: {  	s30 =	simm.s32 $0x50;
	v3 =	vadd.f32 v4, v3;
	v4 =	vadd.f32 $1.000000000e+00, v1  }
0x86: {  	v1 =	vld [tilespmem:s30+$0x800];
	(erf) = vpow2.f32 v2  }
0x87: {  	v2 =	vld [tilespmem:s30+$0xC00];
	(erf) = vrcp.f32 v4  }
0x88: {  	v3 =	vadd.f32 v3, v0;
	_ =	sdelay $0x1  }
0x89: {  	s31 =	simm.s32 $0x180;
	v3 =	vsub.f32 $0.0e+00, v3  }
.LBB2_2:
0x8a: {  	s1 =	sshra.s32 s31, $0x2;
	v4 =	vpop (erf);
	p0 =	sne.s32 s31, $0xFC0  }
.Ltmp0:
0x8b: {  	v5 =	vadd.f32 v2, v1;
	v1 =	vld [tilespmem:s1+$0x800];
	v3 =	vmul.f32 $1.442695020e+00, v3;
	v6 =	vpop (erf);
	(pc) =	sbr.rel @p0 .LBB2_2-.Ltmp0, $4  }
0x8c: {  	s31 =	sadd.s32 $0x40, s31;
	v4 =	vadd.f32 $1.000000000e+00, v4;
	v2 =	vld [tilespmem:s1+$0xC00];
	[tilespmem:s24+$0x1000] =	vst v6;
	s24 =	smov.u32 s25  }
0x8d: {  	s25 =	smov.u32 s26;
	s26 =	smov.u32 s28;
	s28 =	smov.u32 s29;
	v5 =	vadd.f32 v5, v0;
	(erf) = vpow2.f32 v3  }
0x8e: {  	s29 =	smov.u32 s30;
	s30 =	smov.u32 s1;
	(erf) = vrcp.f32 v4  }
0x8f: {  	v3 =	vsub.f32 $0.0e+00, v5  }
0x90: {  	_ = 	snop  }
0x91: {  	v1 =	vadd.f32 v2, v1;
	_ =	sdelay $0x1  }
0x92: {  	v0 =	vadd.f32 v1, v0;
	_ =	sdelay $0x1  }
0x93: {  	v54 =	vpop (erf);
	v55 =	vmul.f32 $1.442695020e+00, v3;
	v0 =	vsub.f32 $0.0e+00, v0  }
0x94: {  	v1 =	vadd.f32 $1.000000000e+00, v54  }
0x95: {  	(erf) = vpow2.f32 v55;
	v0 =	vmul.f32 $1.442695020e+00, v0  }
0x96: {  	(erf) = vrcp.f32 v1  }
0x97: {  	(erf) = vpow2.f32 v0;
	_ =	sdelay $0x3  }
0x98: {  	v56 =	vpop (erf)  }
0x99: {  	v57 =	vpop (erf)  }
0x9a: {  	v58 =	vpop (erf)  }
0x9b: {  	v59 =	vpop (erf)  }
0x9c: {  	v1 =	vadd.f32 $1.000000000e+00, v57;
	v4 =	vpop (erf)  }
0x9d: {  	v3 =	vadd.f32 $1.000000000e+00, v59;
	v5 =	vpop (erf)  }
0x9e: {  	(erf) = vrcp.f32 v1;
	v60 =	vadd.f32 $1.000000000e+00, v5  }
0x9f: {  	(erf) = vrcp.f32 v3  }
0xa0: {  	(erf) = vrcp.f32 v60;
	_ =	sdelay $0x4  }
0xa1: {  	[tilespmem:s24+$0x1000] =	vst v56  }
0xa2: {  	[tilespmem:s25+$0x1000] =	vst v58  }
0xa3: {  	[tilespmem:s26+$0x1000] =	vst v4;
	v61 =	vpop (erf)  }
0xa4: {  	s23 =	sadd.s32 $0x1, s23;
	[tilespmem:s28+$0x1000] =	vst v61;
	v62 =	vpop (erf)  }
0xa5: {  	p0 =	sne.s32 s23, s8;
	[tilespmem:s29+$0x1000] =	vst v62;
	v63 =	vpop (erf)  }
.Ltmp1:
0xa6: {  	[tilespmem:s30+$0x1000] =	vst v63;
	(pc) =	sbr.rel @p0 .LBB2_1-.Ltmp1, $4  }
0xa7: {  	[hbm4b:s6+s2] =	stream.linear.scatter [tilespmem:s22], [sflag:$0x2], $0x400, $0x38;
	[tilespmem:$0x1410] =	vst v63  }
0xa8: {  	_ =	swait.ge [sflag:s9], $0x400  }
0xa9: {  	[sflag:s9] =	ssyncset.done $0x0  }
0xaa: {  	[sflag:s9] =	ssyncadd.s32 $0xFFFFFC00  }
0xab: {  	_ =	sfence.sel $0x180000  }
0xac: {  	[bflag:$0x0] =	sbarrier.arrive $0xFFFF  }
0xad: {  	_ =	strace $0x90000047  }
0xae: {  	s0 =	stileid.u32;
	[bflag:$0x2] =	sbarrier.arrive $0xFFFF  }
0xaf: {  	p0 =	sne.s32 s0, $0x0;
	s0 =	rddreg [dreg:$0x3]  }
0xb0: {  	s0 =	sadd.s32 @!p0 $0x100000, s0  }
0xb1: {  	[sflag:s0] =	ssyncadd.tile.s32 @!p0 $0x1;
	_ =	shalt  }
.Lfunc_end2:
_tile_overlayer_lowered:
.L_overlay_start_2:
0xb2: {  	(tag) =	ssettag $0x2  }
0xb3: {  	s0 =	rddreg [dreg:$0x0];
	s2 =	stileid.u32  }
0xb4: {  	s1 =	rddreg [dreg:$0x1];
	p0 =	sne.s32 s2, $0x0  }
0xb5: {  	s3 =	rddreg [dreg:$0x2];
	[bflag:$0x3] =	sbarrier.arrive $0xFFFF;
	s2 =	simm.s32 @!p0 $0x1C02  }
0xb6: {  	[timem:s3], [sflag:s2] =	dma.local @!p0 [hbm:s0], s1  }
0xb7: {  	s0 =	simm.s32 @!p0 $0x2  }
0xb8: {  	_ =	swait.ge @!p0 [sflag:s0], s1  }
0xb9: {  	s1 =	ssub.s32 @!p0 $0x0, s1;
	[sflag:s0] =	ssyncset.done @!p0 $0x0  }
0xba: {  	[sflag:s0] =	ssyncadd.s32 @!p0 s1  }
0xbb: {  	[bflag:$0x3] =	sbarrier.arrive $0xFFFF  }
0xbc: {  	_ =	shalt  }

</sc_bundles>
